<compile_context>
chip_gen: v7x
topology: tpu7x:2x2x1
jax: 0.10.2.dev20260603
libtpu: 0.0.44.dev20260713+nightly
codegen_flags: <defaults>
</compile_context>

<pallas_src>
import functools

import jax
import jax.numpy as jnp
from jax import lax
from jax.experimental import pallas as pl
from jax.experimental.pallas import tpu as pltpu
from jax.experimental.pallas import tpu_sc as plsc

N = 10000
E = 320000
NC = 2
NS = 16
NW = NC * NS
EPT = E // NW
CH = 125
NITER = EPT // CH
EPT1 = E // NS
NITER1 = EPT1 // CH
DH = 64
ZR = 200
D1 = 128
D2 = 48
BLK = 2000

_mesh = plsc.VectorSubcoreMesh(
    core_axis_name="c", subcore_axis_name="s", num_cores=NC, num_subcores=NS)
_sc_params = pltpu.CompilerParams(
    needs_layout_passes=False, use_tc_tiling_on_sc=False)


def _edge_loop_db(ht_view, isrc_v, idst_v, bufs, sems, acc_sh, niter):
    pltpu.async_copy(ht_view.at[isrc_v.at[0]], bufs[0], sems[0])

    def gbody(g, carry):
        for b in range(2):
            i = g * 2 + b
            nxt = i + 1

            @pl.when(nxt < niter)
            def _start_next():
                pltpu.async_copy(ht_view.at[isrc_v.at[nxt]], bufs[1 - b],
                                 sems[1 - b])

            pltpu.make_async_copy(ht_view.at[isrc_v.at[i]], bufs[b],
                                  sems[b]).wait()
            pltpu.sync_copy(bufs[b], acc_sh.at[idst_v.at[i]], add=True)
        return carry

    lax.fori_loop(0, niter // 2, gbody, 0)



SEG = 624

@functools.partial(
    pl.kernel,
    out_type=jax.ShapeDtypeStruct((NC, N), jnp.float32),
    mesh=_mesh,
    compiler_params=_sc_params,
    scratch_types=[
        pltpu.VMEM((EPT,), jnp.int32),
        pltpu.VMEM((N,), jnp.float32),
        pltpu.VMEM((NS, SEG), jnp.float32),
        pltpu.VMEM((SEG,), jnp.float32),
        pltpu.VMEM_SHARED((NS, N), jnp.float32),
    ],
)
def _deg_kernel(edges_hbm, out_hbm, idx_v, deg_v, blk_v, red_v, hist_sh):
    c = lax.axis_index("c")
    s = lax.axis_index("s")
    wid = c * NS + s
    pltpu.sync_copy(edges_hbm.at[1, wid], idx_v)
    zero16 = jnp.zeros((16,), jnp.float32)
    one16 = jnp.ones((16,), jnp.float32)

    def zbody(i, carry):
        deg_v[pl.ds(i * 16, 16)] = zero16
        return carry

    lax.fori_loop(0, N // 16, zbody, 0)

    def sbody(i, carry):
        idx = idx_v[pl.ds(i * 16, 16)]
        plsc.addupdate_scatter(deg_v, [idx], one16)
        return carry

    lax.fori_loop(0, EPT // 16, sbody, 0)
    pltpu.sync_copy(deg_v, hist_sh.at[s])
    plsc.subcore_barrier()

    def _reduce_span(base, width):
        pltpu.sync_copy(hist_sh.at[:, pl.ds(base, width)],
                        blk_v.at[:, pl.ds(0, width)])

        def cbody(j, carry):
            off = j * 16
            v = blk_v[0, pl.ds(off, 16)]
            for r in range(1, NS):
                v = v + blk_v[r, pl.ds(off, 16)]
            red_v[pl.ds(off, 16)] = v
            return carry

        lax.fori_loop(0, width // 16, cbody, 0)
        pltpu.sync_copy(red_v.at[pl.ds(0, width)],
                        out_hbm.at[c, pl.ds(base, width)])

    _reduce_span(s * SEG, SEG)

    @pl.when(s == NS - 1)
    def _tail():
        _reduce_span(NS * SEG, N - NS * SEG)



@functools.partial(
    pl.kernel,
    out_type=jax.ShapeDtypeStruct((NC, N, DH), jnp.float32),
    mesh=_mesh,
    compiler_params=_sc_params,
    scratch_types=[
        pltpu.VMEM((NITER1, CH), jnp.int32),
        pltpu.VMEM((NITER1, CH), jnp.int32),
        pltpu.VMEM((CH, DH), jnp.float32),
        pltpu.VMEM((CH, DH), jnp.float32),
        pltpu.VMEM((ZR, DH), jnp.float32),
        pltpu.VMEM_SHARED((N, DH), jnp.float32),
        pltpu.SemaphoreType.DMA,
        pltpu.SemaphoreType.DMA,
    ],
)
def _agg1(edges_hbm, ht_hbm, out_hbm, isrc_v, idst_v, rows0_v, rows1_v,
          zbuf_v, acc_sh, sem0, sem1):
    c = lax.axis_index("c")
    s = lax.axis_index("s")
    pltpu.sync_copy(edges_hbm.at[0, s], isrc_v)
    pltpu.sync_copy(edges_hbm.at[1, s], idst_v)

    zero16 = jnp.zeros((16,), jnp.float32)

    def zbody(r, carry):
        for j in range(DH // 16):
            zbuf_v[r, pl.ds(j * 16, 16)] = zero16
        return carry

    lax.fori_loop(0, ZR, zbody, 0)

    @pl.when(s < 10)
    def _zero():
        for k in range(1000 // ZR):
            pltpu.sync_copy(zbuf_v, acc_sh.at[pl.ds(s * 1000 + k * ZR, ZR)])

    plsc.subcore_barrier()
    _edge_loop_db(ht_hbm.at[c], isrc_v, idst_v, (rows0_v, rows1_v),
                  (sem0, sem1), acc_sh, NITER1)
    plsc.subcore_barrier()

    @pl.when(s < 10)
    def _export():
        pltpu.sync_copy(acc_sh.at[pl.ds(s * 1000, 1000)],
                        out_hbm.at[c, pl.ds(s * 1000, 1000)])



def _make_agg(D):
    @functools.partial(
        pl.kernel,
        out_type=jax.ShapeDtypeStruct((NC, N, D), jnp.float32),
        mesh=_mesh,
        compiler_params=_sc_params,
        scratch_types=[
            pltpu.VMEM((NITER, CH), jnp.int32),
            pltpu.VMEM((NITER, CH), jnp.int32),
            pltpu.VMEM((CH, D), jnp.float32),
            pltpu.VMEM((CH, D), jnp.float32),
            pltpu.VMEM((ZR, D), jnp.float32),
            pltpu.VMEM_SHARED((N, D), jnp.float32),
            pltpu.SemaphoreType.DMA,
            pltpu.SemaphoreType.DMA,
        ],
    )
    def agg(edges_hbm, ht_hbm, out_hbm, isrc_v, idst_v, rows0_v,
            rows1_v, zbuf_v, acc_sh, sem0, sem1):
        c = lax.axis_index("c")
        s = lax.axis_index("s")
        wid = c * NS + s
        pltpu.sync_copy(edges_hbm.at[0, wid], isrc_v)
        pltpu.sync_copy(edges_hbm.at[1, wid], idst_v)

        zero16 = jnp.zeros((16,), jnp.float32)

        def zbody(r, carry):
            for j in range(D // 16):
                zbuf_v[r, pl.ds(j * 16, 16)] = zero16
            return carry

        lax.fori_loop(0, ZR, zbody, 0)

        @pl.when(s < 10)
        def _zero():
            for k in range(1000 // ZR):
                pltpu.sync_copy(zbuf_v,
                                acc_sh.at[pl.ds(s * 1000 + k * ZR, ZR)])

        plsc.subcore_barrier()
        _edge_loop_db(ht_hbm, isrc_v, idst_v, (rows0_v, rows1_v),
                      (sem0, sem1), acc_sh, NITER)
        plsc.subcore_barrier()

        @pl.when(s < 10)
        def _export():
            pltpu.sync_copy(acc_sh.at[pl.ds(s * 1000, 1000)],
                            out_hbm.at[c, pl.ds(s * 1000, 1000)])

    return agg


_agg48 = _make_agg(D2)



def _stage_b_body(x_ref, w_ref, degp_ref, ht_ref, dinv_ref):
    deg = jnp.sum(degp_ref[...], axis=0) + 1.0
    dinv = lax.rsqrt(deg)
    ht = jnp.dot(x_ref[...], w_ref[...],
                 preferred_element_type=jnp.float32) * dinv
    ht_ref[0] = ht[:, :DH]
    ht_ref[1] = ht[:, DH:]
    dinv_ref[...] = dinv


def _stage_b(x, W1, degp):
    return pl.pallas_call(
        _stage_b_body,
        grid=(N // BLK,),
        in_specs=[
            pl.BlockSpec((BLK, D1), lambda i: (i, 0)),
            pl.BlockSpec((D1, D1), lambda i: (0, 0)),
            pl.BlockSpec((NC, BLK, 1), lambda i: (0, i, 0)),
        ],
        out_specs=[
            pl.BlockSpec((NC, BLK, DH), lambda i: (0, i, 0)),
            pl.BlockSpec((BLK, 1), lambda i: (i, 0)),
        ],
        out_shape=[
            jax.ShapeDtypeStruct((NC, N, DH), jnp.float32),
            jax.ShapeDtypeStruct((N, 1), jnp.float32),
        ],
    )(x, W1, degp)


def _stage_d_body(a_ref, ht_ref, dinv_ref, b_ref, w_ref, o_ref):
    acc = jnp.concatenate([a_ref[0] + ht_ref[0], a_ref[1] + ht_ref[1]],
                          axis=1)
    h = jnp.maximum(acc * dinv_ref[...] + b_ref[...], 0.0)
    o_ref[...] = jnp.dot(h, w_ref[...],
                         preferred_element_type=jnp.float32) * dinv_ref[...]


def _stage_d(acc1, ht1, dinv, b1r, W2p):
    return pl.pallas_call(
        _stage_d_body,
        grid=(N // BLK,),
        in_specs=[
            pl.BlockSpec((NC, BLK, DH), lambda i: (0, i, 0)),
            pl.BlockSpec((NC, BLK, DH), lambda i: (0, i, 0)),
            pl.BlockSpec((BLK, 1), lambda i: (i, 0)),
            pl.BlockSpec((1, D1), lambda i: (0, 0)),
            pl.BlockSpec((D1, D2), lambda i: (0, 0)),
        ],
        out_specs=pl.BlockSpec((BLK, D2), lambda i: (i, 0)),
        out_shape=jax.ShapeDtypeStruct((N, D2), jnp.float32),
    )(acc1, ht1, dinv, b1r, W2p)


def _stage_f_body(a_ref, ht_ref, dinv_ref, b_ref, o_ref):
    sp = (a_ref[0] + a_ref[1] + ht_ref[...]) * dinv_ref[...] + b_ref[...]
    col = lax.broadcasted_iota(jnp.int32, (BLK, D2), 1)
    valid = col < 40
    sm = jnp.where(valid, sp, -jnp.inf)
    m = jnp.max(sm, axis=1, keepdims=True)
    e = jnp.where(valid, jnp.exp(sp - m), 0.0)
    lse = jnp.log(jnp.sum(e, axis=1, keepdims=True)) + m
    o_ref[...] = (sp - lse)[:, :40]


def _stage_f(accp2, ht2, dinv, b2r):
    return pl.pallas_call(
        _stage_f_body,
        grid=(N // BLK,),
        in_specs=[
            pl.BlockSpec((NC, BLK, D2), lambda i: (0, i, 0)),
            pl.BlockSpec((BLK, D2), lambda i: (i, 0)),
            pl.BlockSpec((BLK, 1), lambda i: (i, 0)),
            pl.BlockSpec((1, D2), lambda i: (0, 0)),
        ],
        out_specs=pl.BlockSpec((BLK, 40), lambda i: (i, 0)),
        out_shape=jax.ShapeDtypeStruct((N, 40), jnp.float32),
    )(accp2, ht2, dinv, b2r)



def kernel(x, edge_index, W1, b1, W2, b2):
    edges_d = edge_index.reshape(2, NW, EPT)
    edges_1 = edge_index.reshape(2, NS, NITER1, CH)
    edges_2 = edge_index.reshape(2, NW, NITER, CH)

    degp = _deg_kernel(edges_d)
    ht1, dinv = _stage_b(x, W1, degp.reshape(NC, N, 1))
    acc1 = _agg1(edges_1, ht1)

    W2p = jnp.pad(W2, ((0, 0), (0, D2 - 40)))
    b2p = jnp.pad(b2, (0, D2 - 40)).reshape(1, D2)
    ht2 = _stage_d(acc1, ht1, dinv, b1.reshape(1, D1), W2p)
    accp2 = _agg48(edges_2, ht2)
    return _stage_f(accp2, ht2, dinv, b2p)

# --- scband reference (transcript-rebuilt; emitter-appended) ---
"""Pipeline reference for scband-gcn-2-13606456394529 (READ-ONLY COPY).

The authoritative reference and input builder live on the scoring server;
editing this copy changes nothing except your own understanding.
"""

import jax, jax.numpy as jnp
import numpy as np

N_NODES = 10000
N_EDGES = 320000
IN_DIM = 128
HID_DIM = 128
OUT_DIM = 40


def gcn_conv(x, edge_index, W, b):
    # Faithful PyG GCNConv: add self-loops, symmetric normalization, linear, scatter-add, bias
    n = x.shape[0]
    loop = jnp.arange(n, dtype=edge_index.dtype)
    src = jnp.concatenate([edge_index[0], loop])
    dst = jnp.concatenate([edge_index[1], loop])
    deg = jax.ops.segment_sum(jnp.ones(src.shape[0], dtype=x.dtype), dst, num_segments=n)
    dinv = jnp.where(deg > 0, 1.0 / jnp.sqrt(deg), 0.0)
    norm = dinv[src] * dinv[dst]
    h = x @ W
    msg = h[src] * norm[:, None]
    out = jax.ops.segment_sum(msg, dst, num_segments=n)
    return out + b


def setup_inputs(seed: int = 0):
    key = jax.random.key(seed)
    ks = jax.random.split(key, 6)
    x = jax.random.normal(ks[0], (N_NODES, IN_DIM), dtype=jnp.float32)
    edge_index = jax.random.randint(ks[1], (2, N_EDGES), 0, N_NODES, dtype=jnp.int32)
    W1 = jax.random.normal(ks[2], (IN_DIM, HID_DIM), dtype=jnp.float32) * np.sqrt(2.0 / (IN_DIM + HID_DIM))
    b1 = jnp.zeros((HID_DIM,), dtype=jnp.float32)
    W2 = jax.random.normal(ks[3], (HID_DIM, OUT_DIM), dtype=jnp.float32) * np.sqrt(2.0 / (HID_DIM + OUT_DIM))
    b2 = jnp.zeros((OUT_DIM,), dtype=jnp.float32)
    return {"x": x, "edge_index": edge_index, "W1": W1, "b1": b1, "W2": W2, "b2": b2}


def reference(x, edge_index, W1, b1, W2, b2):
    # GCN_2.forward in eval mode (dropout is identity when training=False)
    h = gcn_conv(x, edge_index, W1, b1)
    h = jax.nn.relu(h)
    h = gcn_conv(h, edge_index, W2, b2)
    return jax.nn.log_softmax(h, axis=1)

if __name__ == "__main__":
    import jax
    _d = setup_inputs()
    print(jax.jit(kernel)(*tuple(_d.values())))

</pallas_src>

<mosaic_0001>
#map = affine_map<(d0, d1) -> (0, 0, 0, 0)>
#map1 = affine_map<(d0, d1) -> (0, 0)>
#map2 = affine_map<(d0, d1) -> (0, 0, 0)>
module attributes {stable_mosaic.version = 14 : i64} {
  func.func @agg(%arg0: i32, %arg1: i32, %arg2: memref<2x32x80x125xi32, #tpu.memory_space<hbm>>, %arg3: memref<10000x48xf32, #tpu.memory_space<hbm>>, %arg4: memref<2x10000x48xf32, #tpu.memory_space<hbm>>, %arg5: memref<80x125xi32, #tpu.memory_space<vmem>>, %arg6: memref<80x125xi32, #tpu.memory_space<vmem>>, %arg7: memref<125x48xf32, #tpu.memory_space<vmem>>, %arg8: memref<125x48xf32, #tpu.memory_space<vmem>>, %arg9: memref<200x48xf32, #tpu.memory_space<vmem>>, %arg10: memref<10000x48xf32, #tpu.memory_space<vmem_shared>>, %arg11: memref<!tpu.dma_semaphore, #tpu.memory_space<semaphore_mem>>, %arg12: memref<!tpu.dma_semaphore, #tpu.memory_space<semaphore_mem>>) attributes {dimension_semantics = [#tpu.dimension_semantics<core_parallel>, #tpu.dimension_semantics<subcore_parallel>], iteration_bounds = array<i64: 2, 16>, scalar_prefetch = 0 : i64, scratch_operands = 8 : i64, tpu.core_type = #tpu.core_type<sc_vector_subcore>, window_params = [{transform_indices = #map}, {transform_indices = #map1}, {transform_indices = #map2}]} {
    %mul3A = arith.constant 16 : i32
    %mul3A_0 = arith.muli %arg0, %mul3A : i32
    %add3A = arith.addi %mul3A_0, %arg1 : i32
    %run_scoped3A = arith.constant 0 : i32
    "tpu.region"() ({
      %run_scoped3A_28 = tpu.sem_alloc : memref<!tpu.dma_semaphore, #tpu.memory_space<semaphore_mem>>
      %dma_start3A_29 = arith.constant 0 : i32
      %dma_start3A_30 = arith.constant 0 : i32
      %dma_start3A_31 = tpu.memref_slice %arg2[%run_scoped3A, %add3A, %dma_start3A_29, %dma_start3A_30] : memref<2x32x80x125xi32, #tpu.memory_space<hbm>> -> memref<1x1x80x125xi32, #tpu.memory_space<hbm>>
      %dma_start3A_32 = tpu.memref_squeeze %dma_start3A_31 : memref<1x1x80x125xi32, #tpu.memory_space<hbm>> -> memref<80x125xi32, #tpu.memory_space<hbm>>
      %dma_start3A_33 = arith.constant 0 : i32
      %dma_start3A_34 = arith.constant 0 : i32
      %dma_start3A_35 = tpu.memref_slice %arg2[%run_scoped3A, %add3A, %dma_start3A_33, %dma_start3A_34] : memref<2x32x80x125xi32, #tpu.memory_space<hbm>> -> memref<1x1x80x125xi32, #tpu.memory_space<hbm>>
      %dma_start3A_36 = tpu.memref_squeeze %dma_start3A_35 : memref<1x1x80x125xi32, #tpu.memory_space<hbm>> -> memref<80x125xi32, #tpu.memory_space<hbm>>
      tpu.enqueue_dma source(%dma_start3A_36 : memref<80x125xi32, #tpu.memory_space<hbm>>) target(%arg5 : memref<80x125xi32, #tpu.memory_space<vmem>>) target_semaphore(%run_scoped3A_28 : memref<!tpu.dma_semaphore, #tpu.memory_space<semaphore_mem>>)
      %dma_wait3A = arith.constant 0 : i32
      %dma_wait3A_37 = arith.constant 0 : i32
      %dma_wait3A_38 = tpu.memref_slice %arg2[%run_scoped3A, %add3A, %dma_wait3A, %dma_wait3A_37] : memref<2x32x80x125xi32, #tpu.memory_space<hbm>> -> memref<1x1x80x125xi32, #tpu.memory_space<hbm>>
      %dma_wait3A_39 = tpu.memref_squeeze %dma_wait3A_38 : memref<1x1x80x125xi32, #tpu.memory_space<hbm>> -> memref<80x125xi32, #tpu.memory_space<hbm>>
      %dma_wait3A_40 = arith.constant 0 : i32
      %dma_wait3A_41 = arith.constant 0 : i32
      %dma_wait3A_42 = tpu.memref_slice %arg2[%run_scoped3A, %add3A, %dma_wait3A_40, %dma_wait3A_41] : memref<2x32x80x125xi32, #tpu.memory_space<hbm>> -> memref<1x1x80x125xi32, #tpu.memory_space<hbm>>
      %dma_wait3A_43 = tpu.memref_squeeze %dma_wait3A_42 : memref<1x1x80x125xi32, #tpu.memory_space<hbm>> -> memref<80x125xi32, #tpu.memory_space<hbm>>
      tpu.wait_dma2 semaphore(%run_scoped3A_28 : memref<!tpu.dma_semaphore, #tpu.memory_space<semaphore_mem>>) src(%dma_wait3A_43 : memref<80x125xi32, #tpu.memory_space<hbm>>) dst(%arg5 : memref<80x125xi32, #tpu.memory_space<vmem>>)
      tpu.yield
    }) : () -> ()
    %run_scoped3A_1 = arith.constant 1 : i32
    "tpu.region"() ({
      %run_scoped3A_28 = tpu.sem_alloc : memref<!tpu.dma_semaphore, #tpu.memory_space<semaphore_mem>>
      %dma_start3A_29 = arith.constant 0 : i32
      %dma_start3A_30 = arith.constant 0 : i32
      %dma_start3A_31 = tpu.memref_slice %arg2[%run_scoped3A_1, %add3A, %dma_start3A_29, %dma_start3A_30] : memref<2x32x80x125xi32, #tpu.memory_space<hbm>> -> memref<1x1x80x125xi32, #tpu.memory_space<hbm>>
      %dma_start3A_32 = tpu.memref_squeeze %dma_start3A_31 : memref<1x1x80x125xi32, #tpu.memory_space<hbm>> -> memref<80x125xi32, #tpu.memory_space<hbm>>
      %dma_start3A_33 = arith.constant 0 : i32
      %dma_start3A_34 = arith.constant 0 : i32
      %dma_start3A_35 = tpu.memref_slice %arg2[%run_scoped3A_1, %add3A, %dma_start3A_33, %dma_start3A_34] : memref<2x32x80x125xi32, #tpu.memory_space<hbm>> -> memref<1x1x80x125xi32, #tpu.memory_space<hbm>>
      %dma_start3A_36 = tpu.memref_squeeze %dma_start3A_35 : memref<1x1x80x125xi32, #tpu.memory_space<hbm>> -> memref<80x125xi32, #tpu.memory_space<hbm>>
      tpu.enqueue_dma source(%dma_start3A_36 : memref<80x125xi32, #tpu.memory_space<hbm>>) target(%arg6 : memref<80x125xi32, #tpu.memory_space<vmem>>) target_semaphore(%run_scoped3A_28 : memref<!tpu.dma_semaphore, #tpu.memory_space<semaphore_mem>>)
      %dma_wait3A = arith.constant 0 : i32
      %dma_wait3A_37 = arith.constant 0 : i32
      %dma_wait3A_38 = tpu.memref_slice %arg2[%run_scoped3A_1, %add3A, %dma_wait3A, %dma_wait3A_37] : memref<2x32x80x125xi32, #tpu.memory_space<hbm>> -> memref<1x1x80x125xi32, #tpu.memory_space<hbm>>
      %dma_wait3A_39 = tpu.memref_squeeze %dma_wait3A_38 : memref<1x1x80x125xi32, #tpu.memory_space<hbm>> -> memref<80x125xi32, #tpu.memory_space<hbm>>
      %dma_wait3A_40 = arith.constant 0 : i32
      %dma_wait3A_41 = arith.constant 0 : i32
      %dma_wait3A_42 = tpu.memref_slice %arg2[%run_scoped3A_1, %add3A, %dma_wait3A_40, %dma_wait3A_41] : memref<2x32x80x125xi32, #tpu.memory_space<hbm>> -> memref<1x1x80x125xi32, #tpu.memory_space<hbm>>
      %dma_wait3A_43 = tpu.memref_squeeze %dma_wait3A_42 : memref<1x1x80x125xi32, #tpu.memory_space<hbm>> -> memref<80x125xi32, #tpu.memory_space<hbm>>
      tpu.wait_dma2 semaphore(%run_scoped3A_28 : memref<!tpu.dma_semaphore, #tpu.memory_space<semaphore_mem>>) src(%dma_wait3A_43 : memref<80x125xi32, #tpu.memory_space<hbm>>) dst(%arg6 : memref<80x125xi32, #tpu.memory_space<vmem>>)
      tpu.yield
    }) : () -> ()
    %broadcast_in_dim3A = arith.constant 0.000000e+00 : f32
    %broadcast_in_dim3A_2 = vector.broadcast %broadcast_in_dim3A : f32 to vector<16xf32>
    %scan3A = arith.constant 0 : i32
    %scan3A_3 = arith.constant 0 : i32
    %scan3A_4 = arith.constant 200 : i32
    %scan3A_5 = arith.addi %scan3A_3, %scan3A_4 : i32
    %scan3A_6 = arith.constant 1 : i32
    scf.for %scan3A_28 = %scan3A_3 to %scan3A_5 step %scan3A_6  : i32 {
      %swap3A = arith.index_cast %scan3A_28 : i32 to index
      %swap3A_29 = arith.constant 0 : index
      %swap3A_30 = tpu.vector_load %arg9[%swap3A, %swap3A_29] {strides = array<i32>} : memref<200x48xf32, #tpu.memory_space<vmem>>, vector<16xf32>,
      tpu.vector_store %arg9[%swap3A, %swap3A_29], %broadcast_in_dim3A_2 {strides = array<i32>} : memref<200x48xf32, #tpu.memory_space<vmem>>, vector<16xf32>,
      %swap3A_31 = arith.index_cast %scan3A_28 : i32 to index
      %swap3A_32 = arith.constant 16 : index
      %swap3A_33 = tpu.vector_load %arg9[%swap3A_31, %swap3A_32] {strides = array<i32>} : memref<200x48xf32, #tpu.memory_space<vmem>>, vector<16xf32>,
      tpu.vector_store %arg9[%swap3A_31, %swap3A_32], %broadcast_in_dim3A_2 {strides = array<i32>} : memref<200x48xf32, #tpu.memory_space<vmem>>, vector<16xf32>,
      %swap3A_34 = arith.index_cast %scan3A_28 : i32 to index
      %swap3A_35 = arith.constant 32 : index
      %swap3A_36 = tpu.vector_load %arg9[%swap3A_34, %swap3A_35] {strides = array<i32>} : memref<200x48xf32, #tpu.memory_space<vmem>>, vector<16xf32>,
      tpu.vector_store %arg9[%swap3A_34, %swap3A_35], %broadcast_in_dim3A_2 {strides = array<i32>} : memref<200x48xf32, #tpu.memory_space<vmem>>, vector<16xf32>,
    }
    %scan3A_7 = arith.constant 200 : i32
    %lt3A = arith.constant 10 : i32
    %lt3A_8 = arith.cmpi slt, %arg1, %lt3A : i32
    %convert_element_type3A = arith.extui %lt3A_8 : i1 to i32
    %cond3A = arith.constant 0 : i32
    %cond3A_9 = arith.cmpi ne, %convert_element_type3A, %cond3A : i32
    scf.if %cond3A_9 {
      %mul3A_28 = arith.constant 1000 : i32
      %mul3A_29 = arith.muli %arg1, %mul3A_28 : i32
      %add3A_30 = arith.constant 0 : i32
      %add3A_31 = arith.addi %mul3A_29, %add3A_30 : i32
      "tpu.region"() ({
        %run_scoped3A_48 = tpu.sem_alloc : memref<!tpu.dma_semaphore, #tpu.memory_space<semaphore_mem>>
        %dma_start3A_49 = arith.constant 0 : i32
        %dma_start3A_50 = tpu.memref_slice %arg10[%add3A_31, %dma_start3A_49] : memref<10000x48xf32, #tpu.memory_space<vmem_shared>> -> memref<200x48xf32, #tpu.memory_space<vmem_shared>>
        %dma_start3A_51 = arith.constant 0 : i32
        %dma_start3A_52 = tpu.memref_slice %arg10[%add3A_31, %dma_start3A_51] : memref<10000x48xf32, #tpu.memory_space<vmem_shared>> -> memref<200x48xf32, #tpu.memory_space<vmem_shared>>
        tpu.enqueue_dma source(%arg9 : memref<200x48xf32, #tpu.memory_space<vmem>>) target(%dma_start3A_52 : memref<200x48xf32, #tpu.memory_space<vmem_shared>>) target_semaphore(%run_scoped3A_48 : memref<!tpu.dma_semaphore, #tpu.memory_space<semaphore_mem>>)
        %dma_wait3A = arith.constant 0 : i32
        %dma_wait3A_53 = tpu.memref_slice %arg10[%add3A_31, %dma_wait3A] : memref<10000x48xf32, #tpu.memory_space<vmem_shared>> -> memref<200x48xf32, #tpu.memory_space<vmem_shared>>
        %dma_wait3A_54 = arith.constant 0 : i32
        %dma_wait3A_55 = tpu.memref_slice %arg10[%add3A_31, %dma_wait3A_54] : memref<10000x48xf32, #tpu.memory_space<vmem_shared>> -> memref<200x48xf32, #tpu.memory_space<vmem_shared>>
        tpu.wait_dma2 semaphore(%run_scoped3A_48 : memref<!tpu.dma_semaphore, #tpu.memory_space<semaphore_mem>>) src(%arg9 : memref<200x48xf32, #tpu.memory_space<vmem>>) dst(%dma_wait3A_55 : memref<200x48xf32, #tpu.memory_space<vmem_shared>>)
        tpu.yield
      }) : () -> ()
      %mul3A_32 = arith.constant 1000 : i32
      %mul3A_33 = arith.muli %arg1, %mul3A_32 : i32
      %add3A_34 = arith.constant 200 : i32
      %add3A_35 = arith.addi %mul3A_33, %add3A_34 : i32
      "tpu.region"() ({
        %run_scoped3A_48 = tpu.sem_alloc : memref<!tpu.dma_semaphore, #tpu.memory_space<semaphore_mem>>
        %dma_start3A_49 = arith.constant 0 : i32
        %dma_start3A_50 = tpu.memref_slice %arg10[%add3A_35, %dma_start3A_49] : memref<10000x48xf32, #tpu.memory_space<vmem_shared>> -> memref<200x48xf32, #tpu.memory_space<vmem_shared>>
        %dma_start3A_51 = arith.constant 0 : i32
        %dma_start3A_52 = tpu.memref_slice %arg10[%add3A_35, %dma_start3A_51] : memref<10000x48xf32, #tpu.memory_space<vmem_shared>> -> memref<200x48xf32, #tpu.memory_space<vmem_shared>>
        tpu.enqueue_dma source(%arg9 : memref<200x48xf32, #tpu.memory_space<vmem>>) target(%dma_start3A_52 : memref<200x48xf32, #tpu.memory_space<vmem_shared>>) target_semaphore(%run_scoped3A_48 : memref<!tpu.dma_semaphore, #tpu.memory_space<semaphore_mem>>)
        %dma_wait3A = arith.constant 0 : i32
        %dma_wait3A_53 = tpu.memref_slice %arg10[%add3A_35, %dma_wait3A] : memref<10000x48xf32, #tpu.memory_space<vmem_shared>> -> memref<200x48xf32, #tpu.memory_space<vmem_shared>>
        %dma_wait3A_54 = arith.constant 0 : i32
        %dma_wait3A_55 = tpu.memref_slice %arg10[%add3A_35, %dma_wait3A_54] : memref<10000x48xf32, #tpu.memory_space<vmem_shared>> -> memref<200x48xf32, #tpu.memory_space<vmem_shared>>
        tpu.wait_dma2 semaphore(%run_scoped3A_48 : memref<!tpu.dma_semaphore, #tpu.memory_space<semaphore_mem>>) src(%arg9 : memref<200x48xf32, #tpu.memory_space<vmem>>) dst(%dma_wait3A_55 : memref<200x48xf32, #tpu.memory_space<vmem_shared>>)
        tpu.yield
      }) : () -> ()
      %mul3A_36 = arith.constant 1000 : i32
      %mul3A_37 = arith.muli %arg1, %mul3A_36 : i32
      %add3A_38 = arith.constant 400 : i32
      %add3A_39 = arith.addi %mul3A_37, %add3A_38 : i32
      "tpu.region"() ({
        %run_scoped3A_48 = tpu.sem_alloc : memref<!tpu.dma_semaphore, #tpu.memory_space<semaphore_mem>>
        %dma_start3A_49 = arith.constant 0 : i32
        %dma_start3A_50 = tpu.memref_slice %arg10[%add3A_39, %dma_start3A_49] : memref<10000x48xf32, #tpu.memory_space<vmem_shared>> -> memref<200x48xf32, #tpu.memory_space<vmem_shared>>
        %dma_start3A_51 = arith.constant 0 : i32
        %dma_start3A_52 = tpu.memref_slice %arg10[%add3A_39, %dma_start3A_51] : memref<10000x48xf32, #tpu.memory_space<vmem_shared>> -> memref<200x48xf32, #tpu.memory_space<vmem_shared>>
        tpu.enqueue_dma source(%arg9 : memref<200x48xf32, #tpu.memory_space<vmem>>) target(%dma_start3A_52 : memref<200x48xf32, #tpu.memory_space<vmem_shared>>) target_semaphore(%run_scoped3A_48 : memref<!tpu.dma_semaphore, #tpu.memory_space<semaphore_mem>>)
        %dma_wait3A = arith.constant 0 : i32
        %dma_wait3A_53 = tpu.memref_slice %arg10[%add3A_39, %dma_wait3A] : memref<10000x48xf32, #tpu.memory_space<vmem_shared>> -> memref<200x48xf32, #tpu.memory_space<vmem_shared>>
        %dma_wait3A_54 = arith.constant 0 : i32
        %dma_wait3A_55 = tpu.memref_slice %arg10[%add3A_39, %dma_wait3A_54] : memref<10000x48xf32, #tpu.memory_space<vmem_shared>> -> memref<200x48xf32, #tpu.memory_space<vmem_shared>>
        tpu.wait_dma2 semaphore(%run_scoped3A_48 : memref<!tpu.dma_semaphore, #tpu.memory_space<semaphore_mem>>) src(%arg9 : memref<200x48xf32, #tpu.memory_space<vmem>>) dst(%dma_wait3A_55 : memref<200x48xf32, #tpu.memory_space<vmem_shared>>)
        tpu.yield
      }) : () -> ()
      %mul3A_40 = arith.constant 1000 : i32
      %mul3A_41 = arith.muli %arg1, %mul3A_40 : i32
      %add3A_42 = arith.constant 600 : i32
      %add3A_43 = arith.addi %mul3A_41, %add3A_42 : i32
      "tpu.region"() ({
        %run_scoped3A_48 = tpu.sem_alloc : memref<!tpu.dma_semaphore, #tpu.memory_space<semaphore_mem>>
        %dma_start3A_49 = arith.constant 0 : i32
        %dma_start3A_50 = tpu.memref_slice %arg10[%add3A_43, %dma_start3A_49] : memref<10000x48xf32, #tpu.memory_space<vmem_shared>> -> memref<200x48xf32, #tpu.memory_space<vmem_shared>>
        %dma_start3A_51 = arith.constant 0 : i32
        %dma_start3A_52 = tpu.memref_slice %arg10[%add3A_43, %dma_start3A_51] : memref<10000x48xf32, #tpu.memory_space<vmem_shared>> -> memref<200x48xf32, #tpu.memory_space<vmem_shared>>
        tpu.enqueue_dma source(%arg9 : memref<200x48xf32, #tpu.memory_space<vmem>>) target(%dma_start3A_52 : memref<200x48xf32, #tpu.memory_space<vmem_shared>>) target_semaphore(%run_scoped3A_48 : memref<!tpu.dma_semaphore, #tpu.memory_space<semaphore_mem>>)
        %dma_wait3A = arith.constant 0 : i32
        %dma_wait3A_53 = tpu.memref_slice %arg10[%add3A_43, %dma_wait3A] : memref<10000x48xf32, #tpu.memory_space<vmem_shared>> -> memref<200x48xf32, #tpu.memory_space<vmem_shared>>
        %dma_wait3A_54 = arith.constant 0 : i32
        %dma_wait3A_55 = tpu.memref_slice %arg10[%add3A_43, %dma_wait3A_54] : memref<10000x48xf32, #tpu.memory_space<vmem_shared>> -> memref<200x48xf32, #tpu.memory_space<vmem_shared>>
        tpu.wait_dma2 semaphore(%run_scoped3A_48 : memref<!tpu.dma_semaphore, #tpu.memory_space<semaphore_mem>>) src(%arg9 : memref<200x48xf32, #tpu.memory_space<vmem>>) dst(%dma_wait3A_55 : memref<200x48xf32, #tpu.memory_space<vmem_shared>>)
        tpu.yield
      }) : () -> ()
      %mul3A_44 = arith.constant 1000 : i32
      %mul3A_45 = arith.muli %arg1, %mul3A_44 : i32
      %add3A_46 = arith.constant 800 : i32
      %add3A_47 = arith.addi %mul3A_45, %add3A_46 : i32
      "tpu.region"() ({
        %run_scoped3A_48 = tpu.sem_alloc : memref<!tpu.dma_semaphore, #tpu.memory_space<semaphore_mem>>
        %dma_start3A_49 = arith.constant 0 : i32
        %dma_start3A_50 = tpu.memref_slice %arg10[%add3A_47, %dma_start3A_49] : memref<10000x48xf32, #tpu.memory_space<vmem_shared>> -> memref<200x48xf32, #tpu.memory_space<vmem_shared>>
        %dma_start3A_51 = arith.constant 0 : i32
        %dma_start3A_52 = tpu.memref_slice %arg10[%add3A_47, %dma_start3A_51] : memref<10000x48xf32, #tpu.memory_space<vmem_shared>> -> memref<200x48xf32, #tpu.memory_space<vmem_shared>>
        tpu.enqueue_dma source(%arg9 : memref<200x48xf32, #tpu.memory_space<vmem>>) target(%dma_start3A_52 : memref<200x48xf32, #tpu.memory_space<vmem_shared>>) target_semaphore(%run_scoped3A_48 : memref<!tpu.dma_semaphore, #tpu.memory_space<semaphore_mem>>)
        %dma_wait3A = arith.constant 0 : i32
        %dma_wait3A_53 = tpu.memref_slice %arg10[%add3A_47, %dma_wait3A] : memref<10000x48xf32, #tpu.memory_space<vmem_shared>> -> memref<200x48xf32, #tpu.memory_space<vmem_shared>>
        %dma_wait3A_54 = arith.constant 0 : i32
        %dma_wait3A_55 = tpu.memref_slice %arg10[%add3A_47, %dma_wait3A_54] : memref<10000x48xf32, #tpu.memory_space<vmem_shared>> -> memref<200x48xf32, #tpu.memory_space<vmem_shared>>
        tpu.wait_dma2 semaphore(%run_scoped3A_48 : memref<!tpu.dma_semaphore, #tpu.memory_space<semaphore_mem>>) src(%arg9 : memref<200x48xf32, #tpu.memory_space<vmem>>) dst(%dma_wait3A_55 : memref<200x48xf32, #tpu.memory_space<vmem_shared>>)
        tpu.yield
      }) : () -> ()
    } else {
    }
    %barrier3A = arith.constant 0 : index
    tpu.barrier barrier_id(%barrier3A)
    %dma_start3A = arith.constant 0 : i32
    %dma_start3A_10 = arith.constant 0 : i32
    %dma_start3A_11 = tpu.memref_slice %arg5[%dma_start3A, %dma_start3A_10] : memref<80x125xi32, #tpu.memory_space<vmem>> -> memref<1x125xi32, #tpu.memory_space<vmem>>
    %dma_start3A_12 = tpu.memref_squeeze %dma_start3A_11 : memref<1x125xi32, #tpu.memory_space<vmem>> -> memref<125xi32, #tpu.memory_space<vmem>>
    %dma_start3A_13 = arith.constant 0 : i32
    %dma_start3A_14 = arith.constant 0 : i32
    %dma_start3A_15 = tpu.memref_slice %arg3[%dma_start3A_13, %dma_start3A_14] : memref<10000x48xf32, #tpu.memory_space<hbm>> -> memref<10000x48xf32, #tpu.memory_space<hbm>>
    tpu.enqueue_indirect_dma source(%dma_start3A_15 : memref<10000x48xf32, #tpu.memory_space<hbm>>) target(%arg7 : memref<125x48xf32, #tpu.memory_space<vmem>>) offsets(%dma_start3A_12 : memref<125xi32, #tpu.memory_space<vmem>>) semaphore(%arg11 : memref<!tpu.dma_semaphore, #tpu.memory_space<semaphore_mem>>)
    %scan3A_16 = arith.constant 0 : i32
    %scan3A_17 = arith.constant 0 : i32
    %scan3A_18 = arith.constant 40 : i32
    %scan3A_19 = arith.addi %scan3A_17, %scan3A_18 : i32
    %scan3A_20 = arith.constant 1 : i32
    scf.for %scan3A_28 = %scan3A_17 to %scan3A_19 step %scan3A_20  : i32 {
      %mul3A_29 = arith.constant 2 : i32
      %mul3A_30 = arith.muli %scan3A_28, %mul3A_29 : i32
      %add3A_31 = arith.constant 0 : i32
      %add3A_32 = arith.addi %mul3A_30, %add3A_31 : i32
      %add3A_33 = arith.constant 1 : i32
      %add3A_34 = arith.addi %add3A_32, %add3A_33 : i32
      %lt3A_35 = arith.constant 80 : i32
      %lt3A_36 = arith.cmpi slt, %add3A_34, %lt3A_35 : i32
      %convert_element_type3A_37 = arith.extui %lt3A_36 : i1 to i32
      %cond3A_38 = arith.constant 0 : i32
      %cond3A_39 = arith.cmpi ne, %convert_element_type3A_37, %cond3A_38 : i32
      scf.if %cond3A_39 {
        %dma_start3A_62 = arith.constant 0 : i32
        %dma_start3A_63 = tpu.memref_slice %arg5[%add3A_34, %dma_start3A_62] : memref<80x125xi32, #tpu.memory_space<vmem>> -> memref<1x125xi32, #tpu.memory_space<vmem>>
        %dma_start3A_64 = tpu.memref_squeeze %dma_start3A_63 : memref<1x125xi32, #tpu.memory_space<vmem>> -> memref<125xi32, #tpu.memory_space<vmem>>
        %dma_start3A_65 = arith.constant 0 : i32
        %dma_start3A_66 = arith.constant 0 : i32
        %dma_start3A_67 = tpu.memref_slice %arg3[%dma_start3A_65, %dma_start3A_66] : memref<10000x48xf32, #tpu.memory_space<hbm>> -> memref<10000x48xf32, #tpu.memory_space<hbm>>
        tpu.enqueue_indirect_dma source(%dma_start3A_67 : memref<10000x48xf32, #tpu.memory_space<hbm>>) target(%arg8 : memref<125x48xf32, #tpu.memory_space<vmem>>) offsets(%dma_start3A_64 : memref<125xi32, #tpu.memory_space<vmem>>) semaphore(%arg12 : memref<!tpu.dma_semaphore, #tpu.memory_space<semaphore_mem>>)
      } else {
      }
      %dma_wait3A = arith.constant 0 : i32
      %dma_wait3A_40 = tpu.memref_slice %arg5[%add3A_32, %dma_wait3A] : memref<80x125xi32, #tpu.memory_space<vmem>> -> memref<1x125xi32, #tpu.memory_space<vmem>>
      %dma_wait3A_41 = tpu.memref_squeeze %dma_wait3A_40 : memref<1x125xi32, #tpu.memory_space<vmem>> -> memref<125xi32, #tpu.memory_space<vmem>>
      %dma_wait3A_42 = arith.constant 0 : i32
      %dma_wait3A_43 = arith.constant 0 : i32
      %dma_wait3A_44 = tpu.memref_slice %arg3[%dma_wait3A_42, %dma_wait3A_43] : memref<10000x48xf32, #tpu.memory_space<hbm>> -> memref<10000x48xf32, #tpu.memory_space<hbm>>
      tpu.wait_indirect_dma semaphore(%arg11 : memref<!tpu.dma_semaphore, #tpu.memory_space<semaphore_mem>>) src(%dma_wait3A_44 : memref<10000x48xf32, #tpu.memory_space<hbm>>) dst(%arg7 : memref<125x48xf32, #tpu.memory_space<vmem>>)
      "tpu.region"() ({
        %run_scoped3A_62 = tpu.sem_alloc : memref<!tpu.dma_semaphore, #tpu.memory_space<semaphore_mem>>
        %dma_start3A_63 = arith.constant 0 : i32
        %dma_start3A_64 = tpu.memref_slice %arg6[%add3A_32, %dma_start3A_63] : memref<80x125xi32, #tpu.memory_space<vmem>> -> memref<1x125xi32, #tpu.memory_space<vmem>>
        %dma_start3A_65 = tpu.memref_squeeze %dma_start3A_64 : memref<1x125xi32, #tpu.memory_space<vmem>> -> memref<125xi32, #tpu.memory_space<vmem>>
        %dma_start3A_66 = arith.constant 0 : i32
        %dma_start3A_67 = arith.constant 0 : i32
        %dma_start3A_68 = tpu.memref_slice %arg10[%dma_start3A_66, %dma_start3A_67] : memref<10000x48xf32, #tpu.memory_space<vmem_shared>> -> memref<10000x48xf32, #tpu.memory_space<vmem_shared>>
        tpu.enqueue_indirect_dma source(%arg7 : memref<125x48xf32, #tpu.memory_space<vmem>>) target(%dma_start3A_68 : memref<10000x48xf32, #tpu.memory_space<vmem_shared>>) offsets(%dma_start3A_65 : memref<125xi32, #tpu.memory_space<vmem>>) semaphore(%run_scoped3A_62 : memref<!tpu.dma_semaphore, #tpu.memory_space<semaphore_mem>>) {add = true}
        %dma_wait3A_69 = arith.constant 0 : i32
        %dma_wait3A_70 = tpu.memref_slice %arg6[%add3A_32, %dma_wait3A_69] : memref<80x125xi32, #tpu.memory_space<vmem>> -> memref<1x125xi32, #tpu.memory_space<vmem>>
        %dma_wait3A_71 = tpu.memref_squeeze %dma_wait3A_70 : memref<1x125xi32, #tpu.memory_space<vmem>> -> memref<125xi32, #tpu.memory_space<vmem>>
        %dma_wait3A_72 = arith.constant 0 : i32
        %dma_wait3A_73 = arith.constant 0 : i32
        %dma_wait3A_74 = tpu.memref_slice %arg10[%dma_wait3A_72, %dma_wait3A_73] : memref<10000x48xf32, #tpu.memory_space<vmem_shared>> -> memref<10000x48xf32, #tpu.memory_space<vmem_shared>>
        tpu.wait_indirect_dma semaphore(%run_scoped3A_62 : memref<!tpu.dma_semaphore, #tpu.memory_space<semaphore_mem>>) src(%arg7 : memref<125x48xf32, #tpu.memory_space<vmem>>) dst(%dma_wait3A_74 : memref<10000x48xf32, #tpu.memory_space<vmem_shared>>)
        tpu.yield
      }) : () -> ()
      %mul3A_45 = arith.constant 2 : i32
      %mul3A_46 = arith.muli %scan3A_28, %mul3A_45 : i32
      %add3A_47 = arith.constant 1 : i32
      %add3A_48 = arith.addi %mul3A_46, %add3A_47 : i32
      %add3A_49 = arith.constant 1 : i32
      %add3A_50 = arith.addi %add3A_48, %add3A_49 : i32
      %lt3A_51 = arith.constant 80 : i32
      %lt3A_52 = arith.cmpi slt, %add3A_50, %lt3A_51 : i32
      %convert_element_type3A_53 = arith.extui %lt3A_52 : i1 to i32
      %cond3A_54 = arith.constant 0 : i32
      %cond3A_55 = arith.cmpi ne, %convert_element_type3A_53, %cond3A_54 : i32
      scf.if %cond3A_55 {
        %dma_start3A_62 = arith.constant 0 : i32
        %dma_start3A_63 = tpu.memref_slice %arg5[%add3A_50, %dma_start3A_62] : memref<80x125xi32, #tpu.memory_space<vmem>> -> memref<1x125xi32, #tpu.memory_space<vmem>>
        %dma_start3A_64 = tpu.memref_squeeze %dma_start3A_63 : memref<1x125xi32, #tpu.memory_space<vmem>> -> memref<125xi32, #tpu.memory_space<vmem>>
        %dma_start3A_65 = arith.constant 0 : i32
        %dma_start3A_66 = arith.constant 0 : i32
        %dma_start3A_67 = tpu.memref_slice %arg3[%dma_start3A_65, %dma_start3A_66] : memref<10000x48xf32, #tpu.memory_space<hbm>> -> memref<10000x48xf32, #tpu.memory_space<hbm>>
        tpu.enqueue_indirect_dma source(%dma_start3A_67 : memref<10000x48xf32, #tpu.memory_space<hbm>>) target(%arg7 : memref<125x48xf32, #tpu.memory_space<vmem>>) offsets(%dma_start3A_64 : memref<125xi32, #tpu.memory_space<vmem>>) semaphore(%arg11 : memref<!tpu.dma_semaphore, #tpu.memory_space<semaphore_mem>>)
      } else {
      }
      %dma_wait3A_56 = arith.constant 0 : i32
      %dma_wait3A_57 = tpu.memref_slice %arg5[%add3A_48, %dma_wait3A_56] : memref<80x125xi32, #tpu.memory_space<vmem>> -> memref<1x125xi32, #tpu.memory_space<vmem>>
      %dma_wait3A_58 = tpu.memref_squeeze %dma_wait3A_57 : memref<1x125xi32, #tpu.memory_space<vmem>> -> memref<125xi32, #tpu.memory_space<vmem>>
      %dma_wait3A_59 = arith.constant 0 : i32
      %dma_wait3A_60 = arith.constant 0 : i32
      %dma_wait3A_61 = tpu.memref_slice %arg3[%dma_wait3A_59, %dma_wait3A_60] : memref<10000x48xf32, #tpu.memory_space<hbm>> -> memref<10000x48xf32, #tpu.memory_space<hbm>>
      tpu.wait_indirect_dma semaphore(%arg12 : memref<!tpu.dma_semaphore, #tpu.memory_space<semaphore_mem>>) src(%dma_wait3A_61 : memref<10000x48xf32, #tpu.memory_space<hbm>>) dst(%arg8 : memref<125x48xf32, #tpu.memory_space<vmem>>)
      "tpu.region"() ({
        %run_scoped3A_62 = tpu.sem_alloc : memref<!tpu.dma_semaphore, #tpu.memory_space<semaphore_mem>>
        %dma_start3A_63 = arith.constant 0 : i32
        %dma_start3A_64 = tpu.memref_slice %arg6[%add3A_48, %dma_start3A_63] : memref<80x125xi32, #tpu.memory_space<vmem>> -> memref<1x125xi32, #tpu.memory_space<vmem>>
        %dma_start3A_65 = tpu.memref_squeeze %dma_start3A_64 : memref<1x125xi32, #tpu.memory_space<vmem>> -> memref<125xi32, #tpu.memory_space<vmem>>
        %dma_start3A_66 = arith.constant 0 : i32
        %dma_start3A_67 = arith.constant 0 : i32
        %dma_start3A_68 = tpu.memref_slice %arg10[%dma_start3A_66, %dma_start3A_67] : memref<10000x48xf32, #tpu.memory_space<vmem_shared>> -> memref<10000x48xf32, #tpu.memory_space<vmem_shared>>
        tpu.enqueue_indirect_dma source(%arg8 : memref<125x48xf32, #tpu.memory_space<vmem>>) target(%dma_start3A_68 : memref<10000x48xf32, #tpu.memory_space<vmem_shared>>) offsets(%dma_start3A_65 : memref<125xi32, #tpu.memory_space<vmem>>) semaphore(%run_scoped3A_62 : memref<!tpu.dma_semaphore, #tpu.memory_space<semaphore_mem>>) {add = true}
        %dma_wait3A_69 = arith.constant 0 : i32
        %dma_wait3A_70 = tpu.memref_slice %arg6[%add3A_48, %dma_wait3A_69] : memref<80x125xi32, #tpu.memory_space<vmem>> -> memref<1x125xi32, #tpu.memory_space<vmem>>
        %dma_wait3A_71 = tpu.memref_squeeze %dma_wait3A_70 : memref<1x125xi32, #tpu.memory_space<vmem>> -> memref<125xi32, #tpu.memory_space<vmem>>
        %dma_wait3A_72 = arith.constant 0 : i32
        %dma_wait3A_73 = arith.constant 0 : i32
        %dma_wait3A_74 = tpu.memref_slice %arg10[%dma_wait3A_72, %dma_wait3A_73] : memref<10000x48xf32, #tpu.memory_space<vmem_shared>> -> memref<10000x48xf32, #tpu.memory_space<vmem_shared>>
        tpu.wait_indirect_dma semaphore(%run_scoped3A_62 : memref<!tpu.dma_semaphore, #tpu.memory_space<semaphore_mem>>) src(%arg8 : memref<125x48xf32, #tpu.memory_space<vmem>>) dst(%dma_wait3A_74 : memref<10000x48xf32, #tpu.memory_space<vmem_shared>>)
        tpu.yield
      }) : () -> ()
    }
    %scan3A_21 = arith.constant 40 : i32
    %barrier3A_22 = arith.constant 0 : index
    tpu.barrier barrier_id(%barrier3A_22)
    %lt3A_23 = arith.constant 10 : i32
    %lt3A_24 = arith.cmpi slt, %arg1, %lt3A_23 : i32
    %convert_element_type3A_25 = arith.extui %lt3A_24 : i1 to i32
    %cond3A_26 = arith.constant 0 : i32
    %cond3A_27 = arith.cmpi ne, %convert_element_type3A_25, %cond3A_26 : i32
    scf.if %cond3A_27 {
      %mul3A_28 = arith.constant 1000 : i32
      %mul3A_29 = arith.muli %arg1, %mul3A_28 : i32
      %mul3A_30 = arith.constant 1000 : i32
      %mul3A_31 = arith.muli %arg1, %mul3A_30 : i32
      "tpu.region"() ({
        %run_scoped3A_32 = tpu.sem_alloc : memref<!tpu.dma_semaphore, #tpu.memory_space<semaphore_mem>>
        %dma_start3A_33 = arith.constant 0 : i32
        %dma_start3A_34 = tpu.memref_slice %arg4[%arg0, %mul3A_31, %dma_start3A_33] : memref<2x10000x48xf32, #tpu.memory_space<hbm>> -> memref<1x1000x48xf32, #tpu.memory_space<hbm>>
        %dma_start3A_35 = tpu.memref_squeeze %dma_start3A_34 : memref<1x1000x48xf32, #tpu.memory_space<hbm>> -> memref<1000x48xf32, #tpu.memory_space<hbm>>
        %dma_start3A_36 = arith.constant 0 : i32
        %dma_start3A_37 = tpu.memref_slice %arg10[%mul3A_29, %dma_start3A_36] : memref<10000x48xf32, #tpu.memory_space<vmem_shared>> -> memref<1000x48xf32, #tpu.memory_space<vmem_shared>>
        tpu.enqueue_dma source(%dma_start3A_37 : memref<1000x48xf32, #tpu.memory_space<vmem_shared>>) target(%dma_start3A_35 : memref<1000x48xf32, #tpu.memory_space<hbm>>) target_semaphore(%run_scoped3A_32 : memref<!tpu.dma_semaphore, #tpu.memory_space<semaphore_mem>>)
        %dma_wait3A = arith.constant 0 : i32
        %dma_wait3A_38 = tpu.memref_slice %arg4[%arg0, %mul3A_31, %dma_wait3A] : memref<2x10000x48xf32, #tpu.memory_space<hbm>> -> memref<1x1000x48xf32, #tpu.memory_space<hbm>>
        %dma_wait3A_39 = tpu.memref_squeeze %dma_wait3A_38 : memref<1x1000x48xf32, #tpu.memory_space<hbm>> -> memref<1000x48xf32, #tpu.memory_space<hbm>>
        %dma_wait3A_40 = arith.constant 0 : i32
        %dma_wait3A_41 = tpu.memref_slice %arg10[%mul3A_29, %dma_wait3A_40] : memref<10000x48xf32, #tpu.memory_space<vmem_shared>> -> memref<1000x48xf32, #tpu.memory_space<vmem_shared>>
        tpu.wait_dma2 semaphore(%run_scoped3A_32 : memref<!tpu.dma_semaphore, #tpu.memory_space<semaphore_mem>>) src(%dma_wait3A_41 : memref<1000x48xf32, #tpu.memory_space<vmem_shared>>) dst(%dma_wait3A_39 : memref<1000x48xf32, #tpu.memory_space<hbm>>)
        tpu.yield
      }) : () -> ()
    } else {
    }
    return
  }
}

#map = affine_map<(d0, d1) -> (0, 0, 0, 0)>
#map1 = affine_map<(d0, d1) -> (0, 0, 0)>
module attributes {stable_mosaic.version = 14 : i64} {
  func.func @_agg1(%arg0: i32, %arg1: i32, %arg2: memref<2x16x160x125xi32, #tpu.memory_space<hbm>>, %arg3: memref<2x10000x64xf32, #tpu.memory_space<hbm>>, %arg4: memref<2x10000x64xf32, #tpu.memory_space<hbm>>, %arg5: memref<160x125xi32, #tpu.memory_space<vmem>>, %arg6: memref<160x125xi32, #tpu.memory_space<vmem>>, %arg7: memref<125x64xf32, #tpu.memory_space<vmem>>, %arg8: memref<125x64xf32, #tpu.memory_space<vmem>>, %arg9: memref<200x64xf32, #tpu.memory_space<vmem>>, %arg10: memref<10000x64xf32, #tpu.memory_space<vmem_shared>>, %arg11: memref<!tpu.dma_semaphore, #tpu.memory_space<semaphore_mem>>, %arg12: memref<!tpu.dma_semaphore, #tpu.memory_space<semaphore_mem>>) attributes {dimension_semantics = [#tpu.dimension_semantics<core_parallel>, #tpu.dimension_semantics<subcore_parallel>], iteration_bounds = array<i64: 2, 16>, scalar_prefetch = 0 : i64, scratch_operands = 8 : i64, tpu.core_type = #tpu.core_type<sc_vector_subcore>, window_params = [{transform_indices = #map}, {transform_indices = #map1}, {transform_indices = #map1}]} {
    %run_scoped3A = arith.constant 0 : i32
    "tpu.region"() ({
      %run_scoped3A_31 = tpu.sem_alloc : memref<!tpu.dma_semaphore, #tpu.memory_space<semaphore_mem>>
      %dma_start3A_32 = arith.constant 0 : i32
      %dma_start3A_33 = arith.constant 0 : i32
      %dma_start3A_34 = tpu.memref_slice %arg2[%run_scoped3A, %arg1, %dma_start3A_32, %dma_start3A_33] : memref<2x16x160x125xi32, #tpu.memory_space<hbm>> -> memref<1x1x160x125xi32, #tpu.memory_space<hbm>>
      %dma_start3A_35 = tpu.memref_squeeze %dma_start3A_34 : memref<1x1x160x125xi32, #tpu.memory_space<hbm>> -> memref<160x125xi32, #tpu.memory_space<hbm>>
      %dma_start3A_36 = arith.constant 0 : i32
      %dma_start3A_37 = arith.constant 0 : i32
      %dma_start3A_38 = tpu.memref_slice %arg2[%run_scoped3A, %arg1, %dma_start3A_36, %dma_start3A_37] : memref<2x16x160x125xi32, #tpu.memory_space<hbm>> -> memref<1x1x160x125xi32, #tpu.memory_space<hbm>>
      %dma_start3A_39 = tpu.memref_squeeze %dma_start3A_38 : memref<1x1x160x125xi32, #tpu.memory_space<hbm>> -> memref<160x125xi32, #tpu.memory_space<hbm>>
      tpu.enqueue_dma source(%dma_start3A_39 : memref<160x125xi32, #tpu.memory_space<hbm>>) target(%arg5 : memref<160x125xi32, #tpu.memory_space<vmem>>) target_semaphore(%run_scoped3A_31 : memref<!tpu.dma_semaphore, #tpu.memory_space<semaphore_mem>>)
      %dma_wait3A = arith.constant 0 : i32
      %dma_wait3A_40 = arith.constant 0 : i32
      %dma_wait3A_41 = tpu.memref_slice %arg2[%run_scoped3A, %arg1, %dma_wait3A, %dma_wait3A_40] : memref<2x16x160x125xi32, #tpu.memory_space<hbm>> -> memref<1x1x160x125xi32, #tpu.memory_space<hbm>>
      %dma_wait3A_42 = tpu.memref_squeeze %dma_wait3A_41 : memref<1x1x160x125xi32, #tpu.memory_space<hbm>> -> memref<160x125xi32, #tpu.memory_space<hbm>>
      %dma_wait3A_43 = arith.constant 0 : i32
      %dma_wait3A_44 = arith.constant 0 : i32
      %dma_wait3A_45 = tpu.memref_slice %arg2[%run_scoped3A, %arg1, %dma_wait3A_43, %dma_wait3A_44] : memref<2x16x160x125xi32, #tpu.memory_space<hbm>> -> memref<1x1x160x125xi32, #tpu.memory_space<hbm>>
      %dma_wait3A_46 = tpu.memref_squeeze %dma_wait3A_45 : memref<1x1x160x125xi32, #tpu.memory_space<hbm>> -> memref<160x125xi32, #tpu.memory_space<hbm>>
      tpu.wait_dma2 semaphore(%run_scoped3A_31 : memref<!tpu.dma_semaphore, #tpu.memory_space<semaphore_mem>>) src(%dma_wait3A_46 : memref<160x125xi32, #tpu.memory_space<hbm>>) dst(%arg5 : memref<160x125xi32, #tpu.memory_space<vmem>>)
      tpu.yield
    }) : () -> ()
    %run_scoped3A_0 = arith.constant 1 : i32
    "tpu.region"() ({
      %run_scoped3A_31 = tpu.sem_alloc : memref<!tpu.dma_semaphore, #tpu.memory_space<semaphore_mem>>
      %dma_start3A_32 = arith.constant 0 : i32
      %dma_start3A_33 = arith.constant 0 : i32
      %dma_start3A_34 = tpu.memref_slice %arg2[%run_scoped3A_0, %arg1, %dma_start3A_32, %dma_start3A_33] : memref<2x16x160x125xi32, #tpu.memory_space<hbm>> -> memref<1x1x160x125xi32, #tpu.memory_space<hbm>>
      %dma_start3A_35 = tpu.memref_squeeze %dma_start3A_34 : memref<1x1x160x125xi32, #tpu.memory_space<hbm>> -> memref<160x125xi32, #tpu.memory_space<hbm>>
      %dma_start3A_36 = arith.constant 0 : i32
      %dma_start3A_37 = arith.constant 0 : i32
      %dma_start3A_38 = tpu.memref_slice %arg2[%run_scoped3A_0, %arg1, %dma_start3A_36, %dma_start3A_37] : memref<2x16x160x125xi32, #tpu.memory_space<hbm>> -> memref<1x1x160x125xi32, #tpu.memory_space<hbm>>
      %dma_start3A_39 = tpu.memref_squeeze %dma_start3A_38 : memref<1x1x160x125xi32, #tpu.memory_space<hbm>> -> memref<160x125xi32, #tpu.memory_space<hbm>>
      tpu.enqueue_dma source(%dma_start3A_39 : memref<160x125xi32, #tpu.memory_space<hbm>>) target(%arg6 : memref<160x125xi32, #tpu.memory_space<vmem>>) target_semaphore(%run_scoped3A_31 : memref<!tpu.dma_semaphore, #tpu.memory_space<semaphore_mem>>)
      %dma_wait3A = arith.constant 0 : i32
      %dma_wait3A_40 = arith.constant 0 : i32
      %dma_wait3A_41 = tpu.memref_slice %arg2[%run_scoped3A_0, %arg1, %dma_wait3A, %dma_wait3A_40] : memref<2x16x160x125xi32, #tpu.memory_space<hbm>> -> memref<1x1x160x125xi32, #tpu.memory_space<hbm>>
      %dma_wait3A_42 = tpu.memref_squeeze %dma_wait3A_41 : memref<1x1x160x125xi32, #tpu.memory_space<hbm>> -> memref<160x125xi32, #tpu.memory_space<hbm>>
      %dma_wait3A_43 = arith.constant 0 : i32
      %dma_wait3A_44 = arith.constant 0 : i32
      %dma_wait3A_45 = tpu.memref_slice %arg2[%run_scoped3A_0, %arg1, %dma_wait3A_43, %dma_wait3A_44] : memref<2x16x160x125xi32, #tpu.memory_space<hbm>> -> memref<1x1x160x125xi32, #tpu.memory_space<hbm>>
      %dma_wait3A_46 = tpu.memref_squeeze %dma_wait3A_45 : memref<1x1x160x125xi32, #tpu.memory_space<hbm>> -> memref<160x125xi32, #tpu.memory_space<hbm>>
      tpu.wait_dma2 semaphore(%run_scoped3A_31 : memref<!tpu.dma_semaphore, #tpu.memory_space<semaphore_mem>>) src(%dma_wait3A_46 : memref<160x125xi32, #tpu.memory_space<hbm>>) dst(%arg6 : memref<160x125xi32, #tpu.memory_space<vmem>>)
      tpu.yield
    }) : () -> ()
    %broadcast_in_dim3A = arith.constant 0.000000e+00 : f32
    %broadcast_in_dim3A_1 = vector.broadcast %broadcast_in_dim3A : f32 to vector<16xf32>
    %scan3A = arith.constant 0 : i32
    %scan3A_2 = arith.constant 0 : i32
    %scan3A_3 = arith.constant 200 : i32
    %scan3A_4 = arith.addi %scan3A_2, %scan3A_3 : i32
    %scan3A_5 = arith.constant 1 : i32
    scf.for %scan3A_31 = %scan3A_2 to %scan3A_4 step %scan3A_5  : i32 {
      %swap3A = arith.index_cast %scan3A_31 : i32 to index
      %swap3A_32 = arith.constant 0 : index
      %swap3A_33 = tpu.vector_load %arg9[%swap3A, %swap3A_32] {strides = array<i32>} : memref<200x64xf32, #tpu.memory_space<vmem>>, vector<16xf32>,
      tpu.vector_store %arg9[%swap3A, %swap3A_32], %broadcast_in_dim3A_1 {strides = array<i32>} : memref<200x64xf32, #tpu.memory_space<vmem>>, vector<16xf32>,
      %swap3A_34 = arith.index_cast %scan3A_31 : i32 to index
      %swap3A_35 = arith.constant 16 : index
      %swap3A_36 = tpu.vector_load %arg9[%swap3A_34, %swap3A_35] {strides = array<i32>} : memref<200x64xf32, #tpu.memory_space<vmem>>, vector<16xf32>,
      tpu.vector_store %arg9[%swap3A_34, %swap3A_35], %broadcast_in_dim3A_1 {strides = array<i32>} : memref<200x64xf32, #tpu.memory_space<vmem>>, vector<16xf32>,
      %swap3A_37 = arith.index_cast %scan3A_31 : i32 to index
      %swap3A_38 = arith.constant 32 : index
      %swap3A_39 = tpu.vector_load %arg9[%swap3A_37, %swap3A_38] {strides = array<i32>} : memref<200x64xf32, #tpu.memory_space<vmem>>, vector<16xf32>,
      tpu.vector_store %arg9[%swap3A_37, %swap3A_38], %broadcast_in_dim3A_1 {strides = array<i32>} : memref<200x64xf32, #tpu.memory_space<vmem>>, vector<16xf32>,
      %swap3A_40 = arith.index_cast %scan3A_31 : i32 to index
      %swap3A_41 = arith.constant 48 : index
      %swap3A_42 = tpu.vector_load %arg9[%swap3A_40, %swap3A_41] {strides = array<i32>} : memref<200x64xf32, #tpu.memory_space<vmem>>, vector<16xf32>,
      tpu.vector_store %arg9[%swap3A_40, %swap3A_41], %broadcast_in_dim3A_1 {strides = array<i32>} : memref<200x64xf32, #tpu.memory_space<vmem>>, vector<16xf32>,
    }
    %scan3A_6 = arith.constant 200 : i32
    %lt3A = arith.constant 10 : i32
    %lt3A_7 = arith.cmpi slt, %arg1, %lt3A : i32
    %convert_element_type3A = arith.extui %lt3A_7 : i1 to i32
    %cond3A = arith.constant 0 : i32
    %cond3A_8 = arith.cmpi ne, %convert_element_type3A, %cond3A : i32
    scf.if %cond3A_8 {
      %mul3A = arith.constant 1000 : i32
      %mul3A_31 = arith.muli %arg1, %mul3A : i32
      %add3A = arith.constant 0 : i32
      %add3A_32 = arith.addi %mul3A_31, %add3A : i32
      "tpu.region"() ({
        %run_scoped3A_49 = tpu.sem_alloc : memref<!tpu.dma_semaphore, #tpu.memory_space<semaphore_mem>>
        %dma_start3A_50 = arith.constant 0 : i32
        %dma_start3A_51 = tpu.memref_slice %arg10[%add3A_32, %dma_start3A_50] : memref<10000x64xf32, #tpu.memory_space<vmem_shared>> -> memref<200x64xf32, #tpu.memory_space<vmem_shared>>
        %dma_start3A_52 = arith.constant 0 : i32
        %dma_start3A_53 = tpu.memref_slice %arg10[%add3A_32, %dma_start3A_52] : memref<10000x64xf32, #tpu.memory_space<vmem_shared>> -> memref<200x64xf32, #tpu.memory_space<vmem_shared>>
        tpu.enqueue_dma source(%arg9 : memref<200x64xf32, #tpu.memory_space<vmem>>) target(%dma_start3A_53 : memref<200x64xf32, #tpu.memory_space<vmem_shared>>) target_semaphore(%run_scoped3A_49 : memref<!tpu.dma_semaphore, #tpu.memory_space<semaphore_mem>>)
        %dma_wait3A = arith.constant 0 : i32
        %dma_wait3A_54 = tpu.memref_slice %arg10[%add3A_32, %dma_wait3A] : memref<10000x64xf32, #tpu.memory_space<vmem_shared>> -> memref<200x64xf32, #tpu.memory_space<vmem_shared>>
        %dma_wait3A_55 = arith.constant 0 : i32
        %dma_wait3A_56 = tpu.memref_slice %arg10[%add3A_32, %dma_wait3A_55] : memref<10000x64xf32, #tpu.memory_space<vmem_shared>> -> memref<200x64xf32, #tpu.memory_space<vmem_shared>>
        tpu.wait_dma2 semaphore(%run_scoped3A_49 : memref<!tpu.dma_semaphore, #tpu.memory_space<semaphore_mem>>) src(%arg9 : memref<200x64xf32, #tpu.memory_space<vmem>>) dst(%dma_wait3A_56 : memref<200x64xf32, #tpu.memory_space<vmem_shared>>)
        tpu.yield
      }) : () -> ()
      %mul3A_33 = arith.constant 1000 : i32
      %mul3A_34 = arith.muli %arg1, %mul3A_33 : i32
      %add3A_35 = arith.constant 200 : i32
      %add3A_36 = arith.addi %mul3A_34, %add3A_35 : i32
      "tpu.region"() ({
        %run_scoped3A_49 = tpu.sem_alloc : memref<!tpu.dma_semaphore, #tpu.memory_space<semaphore_mem>>
        %dma_start3A_50 = arith.constant 0 : i32
        %dma_start3A_51 = tpu.memref_slice %arg10[%add3A_36, %dma_start3A_50] : memref<10000x64xf32, #tpu.memory_space<vmem_shared>> -> memref<200x64xf32, #tpu.memory_space<vmem_shared>>
        %dma_start3A_52 = arith.constant 0 : i32
        %dma_start3A_53 = tpu.memref_slice %arg10[%add3A_36, %dma_start3A_52] : memref<10000x64xf32, #tpu.memory_space<vmem_shared>> -> memref<200x64xf32, #tpu.memory_space<vmem_shared>>
        tpu.enqueue_dma source(%arg9 : memref<200x64xf32, #tpu.memory_space<vmem>>) target(%dma_start3A_53 : memref<200x64xf32, #tpu.memory_space<vmem_shared>>) target_semaphore(%run_scoped3A_49 : memref<!tpu.dma_semaphore, #tpu.memory_space<semaphore_mem>>)
        %dma_wait3A = arith.constant 0 : i32
        %dma_wait3A_54 = tpu.memref_slice %arg10[%add3A_36, %dma_wait3A] : memref<10000x64xf32, #tpu.memory_space<vmem_shared>> -> memref<200x64xf32, #tpu.memory_space<vmem_shared>>
        %dma_wait3A_55 = arith.constant 0 : i32
        %dma_wait3A_56 = tpu.memref_slice %arg10[%add3A_36, %dma_wait3A_55] : memref<10000x64xf32, #tpu.memory_space<vmem_shared>> -> memref<200x64xf32, #tpu.memory_space<vmem_shared>>
        tpu.wait_dma2 semaphore(%run_scoped3A_49 : memref<!tpu.dma_semaphore, #tpu.memory_space<semaphore_mem>>) src(%arg9 : memref<200x64xf32, #tpu.memory_space<vmem>>) dst(%dma_wait3A_56 : memref<200x64xf32, #tpu.memory_space<vmem_shared>>)
        tpu.yield
      }) : () -> ()
      %mul3A_37 = arith.constant 1000 : i32
      %mul3A_38 = arith.muli %arg1, %mul3A_37 : i32
      %add3A_39 = arith.constant 400 : i32
      %add3A_40 = arith.addi %mul3A_38, %add3A_39 : i32
      "tpu.region"() ({
        %run_scoped3A_49 = tpu.sem_alloc : memref<!tpu.dma_semaphore, #tpu.memory_space<semaphore_mem>>
        %dma_start3A_50 = arith.constant 0 : i32
        %dma_start3A_51 = tpu.memref_slice %arg10[%add3A_40, %dma_start3A_50] : memref<10000x64xf32, #tpu.memory_space<vmem_shared>> -> memref<200x64xf32, #tpu.memory_space<vmem_shared>>
        %dma_start3A_52 = arith.constant 0 : i32
        %dma_start3A_53 = tpu.memref_slice %arg10[%add3A_40, %dma_start3A_52] : memref<10000x64xf32, #tpu.memory_space<vmem_shared>> -> memref<200x64xf32, #tpu.memory_space<vmem_shared>>
        tpu.enqueue_dma source(%arg9 : memref<200x64xf32, #tpu.memory_space<vmem>>) target(%dma_start3A_53 : memref<200x64xf32, #tpu.memory_space<vmem_shared>>) target_semaphore(%run_scoped3A_49 : memref<!tpu.dma_semaphore, #tpu.memory_space<semaphore_mem>>)
        %dma_wait3A = arith.constant 0 : i32
        %dma_wait3A_54 = tpu.memref_slice %arg10[%add3A_40, %dma_wait3A] : memref<10000x64xf32, #tpu.memory_space<vmem_shared>> -> memref<200x64xf32, #tpu.memory_space<vmem_shared>>
        %dma_wait3A_55 = arith.constant 0 : i32
        %dma_wait3A_56 = tpu.memref_slice %arg10[%add3A_40, %dma_wait3A_55] : memref<10000x64xf32, #tpu.memory_space<vmem_shared>> -> memref<200x64xf32, #tpu.memory_space<vmem_shared>>
        tpu.wait_dma2 semaphore(%run_scoped3A_49 : memref<!tpu.dma_semaphore, #tpu.memory_space<semaphore_mem>>) src(%arg9 : memref<200x64xf32, #tpu.memory_space<vmem>>) dst(%dma_wait3A_56 : memref<200x64xf32, #tpu.memory_space<vmem_shared>>)
        tpu.yield
      }) : () -> ()
      %mul3A_41 = arith.constant 1000 : i32
      %mul3A_42 = arith.muli %arg1, %mul3A_41 : i32
      %add3A_43 = arith.constant 600 : i32
      %add3A_44 = arith.addi %mul3A_42, %add3A_43 : i32
      "tpu.region"() ({
        %run_scoped3A_49 = tpu.sem_alloc : memref<!tpu.dma_semaphore, #tpu.memory_space<semaphore_mem>>
        %dma_start3A_50 = arith.constant 0 : i32
        %dma_start3A_51 = tpu.memref_slice %arg10[%add3A_44, %dma_start3A_50] : memref<10000x64xf32, #tpu.memory_space<vmem_shared>> -> memref<200x64xf32, #tpu.memory_space<vmem_shared>>
        %dma_start3A_52 = arith.constant 0 : i32
        %dma_start3A_53 = tpu.memref_slice %arg10[%add3A_44, %dma_start3A_52] : memref<10000x64xf32, #tpu.memory_space<vmem_shared>> -> memref<200x64xf32, #tpu.memory_space<vmem_shared>>
        tpu.enqueue_dma source(%arg9 : memref<200x64xf32, #tpu.memory_space<vmem>>) target(%dma_start3A_53 : memref<200x64xf32, #tpu.memory_space<vmem_shared>>) target_semaphore(%run_scoped3A_49 : memref<!tpu.dma_semaphore, #tpu.memory_space<semaphore_mem>>)
        %dma_wait3A = arith.constant 0 : i32
        %dma_wait3A_54 = tpu.memref_slice %arg10[%add3A_44, %dma_wait3A] : memref<10000x64xf32, #tpu.memory_space<vmem_shared>> -> memref<200x64xf32, #tpu.memory_space<vmem_shared>>
        %dma_wait3A_55 = arith.constant 0 : i32
        %dma_wait3A_56 = tpu.memref_slice %arg10[%add3A_44, %dma_wait3A_55] : memref<10000x64xf32, #tpu.memory_space<vmem_shared>> -> memref<200x64xf32, #tpu.memory_space<vmem_shared>>
        tpu.wait_dma2 semaphore(%run_scoped3A_49 : memref<!tpu.dma_semaphore, #tpu.memory_space<semaphore_mem>>) src(%arg9 : memref<200x64xf32, #tpu.memory_space<vmem>>) dst(%dma_wait3A_56 : memref<200x64xf32, #tpu.memory_space<vmem_shared>>)
        tpu.yield
      }) : () -> ()
      %mul3A_45 = arith.constant 1000 : i32
      %mul3A_46 = arith.muli %arg1, %mul3A_45 : i32
      %add3A_47 = arith.constant 800 : i32
      %add3A_48 = arith.addi %mul3A_46, %add3A_47 : i32
      "tpu.region"() ({
        %run_scoped3A_49 = tpu.sem_alloc : memref<!tpu.dma_semaphore, #tpu.memory_space<semaphore_mem>>
        %dma_start3A_50 = arith.constant 0 : i32
        %dma_start3A_51 = tpu.memref_slice %arg10[%add3A_48, %dma_start3A_50] : memref<10000x64xf32, #tpu.memory_space<vmem_shared>> -> memref<200x64xf32, #tpu.memory_space<vmem_shared>>
        %dma_start3A_52 = arith.constant 0 : i32
        %dma_start3A_53 = tpu.memref_slice %arg10[%add3A_48, %dma_start3A_52] : memref<10000x64xf32, #tpu.memory_space<vmem_shared>> -> memref<200x64xf32, #tpu.memory_space<vmem_shared>>
        tpu.enqueue_dma source(%arg9 : memref<200x64xf32, #tpu.memory_space<vmem>>) target(%dma_start3A_53 : memref<200x64xf32, #tpu.memory_space<vmem_shared>>) target_semaphore(%run_scoped3A_49 : memref<!tpu.dma_semaphore, #tpu.memory_space<semaphore_mem>>)
        %dma_wait3A = arith.constant 0 : i32
        %dma_wait3A_54 = tpu.memref_slice %arg10[%add3A_48, %dma_wait3A] : memref<10000x64xf32, #tpu.memory_space<vmem_shared>> -> memref<200x64xf32, #tpu.memory_space<vmem_shared>>
        %dma_wait3A_55 = arith.constant 0 : i32
        %dma_wait3A_56 = tpu.memref_slice %arg10[%add3A_48, %dma_wait3A_55] : memref<10000x64xf32, #tpu.memory_space<vmem_shared>> -> memref<200x64xf32, #tpu.memory_space<vmem_shared>>
        tpu.wait_dma2 semaphore(%run_scoped3A_49 : memref<!tpu.dma_semaphore, #tpu.memory_space<semaphore_mem>>) src(%arg9 : memref<200x64xf32, #tpu.memory_space<vmem>>) dst(%dma_wait3A_56 : memref<200x64xf32, #tpu.memory_space<vmem_shared>>)
        tpu.yield
      }) : () -> ()
    } else {
    }
    %barrier3A = arith.constant 0 : index
    tpu.barrier barrier_id(%barrier3A)
    %dma_start3A = arith.constant 0 : i32
    %dma_start3A_9 = arith.constant 0 : i32
    %dma_start3A_10 = tpu.memref_slice %arg5[%dma_start3A, %dma_start3A_9] : memref<160x125xi32, #tpu.memory_space<vmem>> -> memref<1x125xi32, #tpu.memory_space<vmem>>
    %dma_start3A_11 = tpu.memref_squeeze %dma_start3A_10 : memref<1x125xi32, #tpu.memory_space<vmem>> -> memref<125xi32, #tpu.memory_space<vmem>>
    %dma_start3A_12 = arith.constant 0 : i32
    %dma_start3A_13 = arith.constant 0 : i32
    %dma_start3A_14 = tpu.memref_slice %arg3[%arg0, %dma_start3A_12, %dma_start3A_13] : memref<2x10000x64xf32, #tpu.memory_space<hbm>> -> memref<1x10000x64xf32, #tpu.memory_space<hbm>>
    %dma_start3A_15 = tpu.memref_squeeze %dma_start3A_14 : memref<1x10000x64xf32, #tpu.memory_space<hbm>> -> memref<10000x64xf32, #tpu.memory_space<hbm>>
    %dma_start3A_16 = arith.constant 0 : i32
    %dma_start3A_17 = arith.constant 0 : i32
    %dma_start3A_18 = tpu.memref_slice %dma_start3A_15[%dma_start3A_16, %dma_start3A_17] : memref<10000x64xf32, #tpu.memory_space<hbm>> -> memref<10000x64xf32, #tpu.memory_space<hbm>>
    tpu.enqueue_indirect_dma source(%dma_start3A_18 : memref<10000x64xf32, #tpu.memory_space<hbm>>) target(%arg7 : memref<125x64xf32, #tpu.memory_space<vmem>>) offsets(%dma_start3A_11 : memref<125xi32, #tpu.memory_space<vmem>>) semaphore(%arg11 : memref<!tpu.dma_semaphore, #tpu.memory_space<semaphore_mem>>)
    %scan3A_19 = arith.constant 0 : i32
    %scan3A_20 = arith.constant 0 : i32
    %scan3A_21 = arith.constant 80 : i32
    %scan3A_22 = arith.addi %scan3A_20, %scan3A_21 : i32
    %scan3A_23 = arith.constant 1 : i32
    scf.for %scan3A_31 = %scan3A_20 to %scan3A_22 step %scan3A_23  : i32 {
      %mul3A = arith.constant 2 : i32
      %mul3A_32 = arith.muli %scan3A_31, %mul3A : i32
      %add3A = arith.constant 0 : i32
      %add3A_33 = arith.addi %mul3A_32, %add3A : i32
      %add3A_34 = arith.constant 1 : i32
      %add3A_35 = arith.addi %add3A_33, %add3A_34 : i32
      %lt3A_36 = arith.constant 160 : i32
      %lt3A_37 = arith.cmpi slt, %add3A_35, %lt3A_36 : i32
      %convert_element_type3A_38 = arith.extui %lt3A_37 : i1 to i32
      %cond3A_39 = arith.constant 0 : i32
      %cond3A_40 = arith.cmpi ne, %convert_element_type3A_38, %cond3A_39 : i32
      scf.if %cond3A_40 {
        %dma_start3A_71 = arith.constant 0 : i32
        %dma_start3A_72 = tpu.memref_slice %arg5[%add3A_35, %dma_start3A_71] : memref<160x125xi32, #tpu.memory_space<vmem>> -> memref<1x125xi32, #tpu.memory_space<vmem>>
        %dma_start3A_73 = tpu.memref_squeeze %dma_start3A_72 : memref<1x125xi32, #tpu.memory_space<vmem>> -> memref<125xi32, #tpu.memory_space<vmem>>
        %dma_start3A_74 = arith.constant 0 : i32
        %dma_start3A_75 = arith.constant 0 : i32
        %dma_start3A_76 = tpu.memref_slice %arg3[%arg0, %dma_start3A_74, %dma_start3A_75] : memref<2x10000x64xf32, #tpu.memory_space<hbm>> -> memref<1x10000x64xf32, #tpu.memory_space<hbm>>
        %dma_start3A_77 = tpu.memref_squeeze %dma_start3A_76 : memref<1x10000x64xf32, #tpu.memory_space<hbm>> -> memref<10000x64xf32, #tpu.memory_space<hbm>>
        %dma_start3A_78 = arith.constant 0 : i32
        %dma_start3A_79 = arith.constant 0 : i32
        %dma_start3A_80 = tpu.memref_slice %dma_start3A_77[%dma_start3A_78, %dma_start3A_79] : memref<10000x64xf32, #tpu.memory_space<hbm>> -> memref<10000x64xf32, #tpu.memory_space<hbm>>
        tpu.enqueue_indirect_dma source(%dma_start3A_80 : memref<10000x64xf32, #tpu.memory_space<hbm>>) target(%arg8 : memref<125x64xf32, #tpu.memory_space<vmem>>) offsets(%dma_start3A_73 : memref<125xi32, #tpu.memory_space<vmem>>) semaphore(%arg12 : memref<!tpu.dma_semaphore, #tpu.memory_space<semaphore_mem>>)
      } else {
      }
      %dma_wait3A = arith.constant 0 : i32
      %dma_wait3A_41 = tpu.memref_slice %arg5[%add3A_33, %dma_wait3A] : memref<160x125xi32, #tpu.memory_space<vmem>> -> memref<1x125xi32, #tpu.memory_space<vmem>>
      %dma_wait3A_42 = tpu.memref_squeeze %dma_wait3A_41 : memref<1x125xi32, #tpu.memory_space<vmem>> -> memref<125xi32, #tpu.memory_space<vmem>>
      %dma_wait3A_43 = arith.constant 0 : i32
      %dma_wait3A_44 = arith.constant 0 : i32
      %dma_wait3A_45 = tpu.memref_slice %arg3[%arg0, %dma_wait3A_43, %dma_wait3A_44] : memref<2x10000x64xf32, #tpu.memory_space<hbm>> -> memref<1x10000x64xf32, #tpu.memory_space<hbm>>
      %dma_wait3A_46 = tpu.memref_squeeze %dma_wait3A_45 : memref<1x10000x64xf32, #tpu.memory_space<hbm>> -> memref<10000x64xf32, #tpu.memory_space<hbm>>
      %dma_wait3A_47 = arith.constant 0 : i32
      %dma_wait3A_48 = arith.constant 0 : i32
      %dma_wait3A_49 = tpu.memref_slice %dma_wait3A_46[%dma_wait3A_47, %dma_wait3A_48] : memref<10000x64xf32, #tpu.memory_space<hbm>> -> memref<10000x64xf32, #tpu.memory_space<hbm>>
      tpu.wait_indirect_dma semaphore(%arg11 : memref<!tpu.dma_semaphore, #tpu.memory_space<semaphore_mem>>) src(%dma_wait3A_49 : memref<10000x64xf32, #tpu.memory_space<hbm>>) dst(%arg7 : memref<125x64xf32, #tpu.memory_space<vmem>>)
      "tpu.region"() ({
        %run_scoped3A_71 = tpu.sem_alloc : memref<!tpu.dma_semaphore, #tpu.memory_space<semaphore_mem>>
        %dma_start3A_72 = arith.constant 0 : i32
        %dma_start3A_73 = tpu.memref_slice %arg6[%add3A_33, %dma_start3A_72] : memref<160x125xi32, #tpu.memory_space<vmem>> -> memref<1x125xi32, #tpu.memory_space<vmem>>
        %dma_start3A_74 = tpu.memref_squeeze %dma_start3A_73 : memref<1x125xi32, #tpu.memory_space<vmem>> -> memref<125xi32, #tpu.memory_space<vmem>>
        %dma_start3A_75 = arith.constant 0 : i32
        %dma_start3A_76 = arith.constant 0 : i32
        %dma_start3A_77 = tpu.memref_slice %arg10[%dma_start3A_75, %dma_start3A_76] : memref<10000x64xf32, #tpu.memory_space<vmem_shared>> -> memref<10000x64xf32, #tpu.memory_space<vmem_shared>>
        tpu.enqueue_indirect_dma source(%arg7 : memref<125x64xf32, #tpu.memory_space<vmem>>) target(%dma_start3A_77 : memref<10000x64xf32, #tpu.memory_space<vmem_shared>>) offsets(%dma_start3A_74 : memref<125xi32, #tpu.memory_space<vmem>>) semaphore(%run_scoped3A_71 : memref<!tpu.dma_semaphore, #tpu.memory_space<semaphore_mem>>) {add = true}
        %dma_wait3A_78 = arith.constant 0 : i32
        %dma_wait3A_79 = tpu.memref_slice %arg6[%add3A_33, %dma_wait3A_78] : memref<160x125xi32, #tpu.memory_space<vmem>> -> memref<1x125xi32, #tpu.memory_space<vmem>>
        %dma_wait3A_80 = tpu.memref_squeeze %dma_wait3A_79 : memref<1x125xi32, #tpu.memory_space<vmem>> -> memref<125xi32, #tpu.memory_space<vmem>>
        %dma_wait3A_81 = arith.constant 0 : i32
        %dma_wait3A_82 = arith.constant 0 : i32
        %dma_wait3A_83 = tpu.memref_slice %arg10[%dma_wait3A_81, %dma_wait3A_82] : memref<10000x64xf32, #tpu.memory_space<vmem_shared>> -> memref<10000x64xf32, #tpu.memory_space<vmem_shared>>
        tpu.wait_indirect_dma semaphore(%run_scoped3A_71 : memref<!tpu.dma_semaphore, #tpu.memory_space<semaphore_mem>>) src(%arg7 : memref<125x64xf32, #tpu.memory_space<vmem>>) dst(%dma_wait3A_83 : memref<10000x64xf32, #tpu.memory_space<vmem_shared>>)
        tpu.yield
      }) : () -> ()
      %mul3A_50 = arith.constant 2 : i32
      %mul3A_51 = arith.muli %scan3A_31, %mul3A_50 : i32
      %add3A_52 = arith.constant 1 : i32
      %add3A_53 = arith.addi %mul3A_51, %add3A_52 : i32
      %add3A_54 = arith.constant 1 : i32
      %add3A_55 = arith.addi %add3A_53, %add3A_54 : i32
      %lt3A_56 = arith.constant 160 : i32
      %lt3A_57 = arith.cmpi slt, %add3A_55, %lt3A_56 : i32
      %convert_element_type3A_58 = arith.extui %lt3A_57 : i1 to i32
      %cond3A_59 = arith.constant 0 : i32
      %cond3A_60 = arith.cmpi ne, %convert_element_type3A_58, %cond3A_59 : i32
      scf.if %cond3A_60 {
        %dma_start3A_71 = arith.constant 0 : i32
        %dma_start3A_72 = tpu.memref_slice %arg5[%add3A_55, %dma_start3A_71] : memref<160x125xi32, #tpu.memory_space<vmem>> -> memref<1x125xi32, #tpu.memory_space<vmem>>
        %dma_start3A_73 = tpu.memref_squeeze %dma_start3A_72 : memref<1x125xi32, #tpu.memory_space<vmem>> -> memref<125xi32, #tpu.memory_space<vmem>>
        %dma_start3A_74 = arith.constant 0 : i32
        %dma_start3A_75 = arith.constant 0 : i32
        %dma_start3A_76 = tpu.memref_slice %arg3[%arg0, %dma_start3A_74, %dma_start3A_75] : memref<2x10000x64xf32, #tpu.memory_space<hbm>> -> memref<1x10000x64xf32, #tpu.memory_space<hbm>>
        %dma_start3A_77 = tpu.memref_squeeze %dma_start3A_76 : memref<1x10000x64xf32, #tpu.memory_space<hbm>> -> memref<10000x64xf32, #tpu.memory_space<hbm>>
        %dma_start3A_78 = arith.constant 0 : i32
        %dma_start3A_79 = arith.constant 0 : i32
        %dma_start3A_80 = tpu.memref_slice %dma_start3A_77[%dma_start3A_78, %dma_start3A_79] : memref<10000x64xf32, #tpu.memory_space<hbm>> -> memref<10000x64xf32, #tpu.memory_space<hbm>>
        tpu.enqueue_indirect_dma source(%dma_start3A_80 : memref<10000x64xf32, #tpu.memory_space<hbm>>) target(%arg7 : memref<125x64xf32, #tpu.memory_space<vmem>>) offsets(%dma_start3A_73 : memref<125xi32, #tpu.memory_space<vmem>>) semaphore(%arg11 : memref<!tpu.dma_semaphore, #tpu.memory_space<semaphore_mem>>)
      } else {
      }
      %dma_wait3A_61 = arith.constant 0 : i32
      %dma_wait3A_62 = tpu.memref_slice %arg5[%add3A_53, %dma_wait3A_61] : memref<160x125xi32, #tpu.memory_space<vmem>> -> memref<1x125xi32, #tpu.memory_space<vmem>>
      %dma_wait3A_63 = tpu.memref_squeeze %dma_wait3A_62 : memref<1x125xi32, #tpu.memory_space<vmem>> -> memref<125xi32, #tpu.memory_space<vmem>>
      %dma_wait3A_64 = arith.constant 0 : i32
      %dma_wait3A_65 = arith.constant 0 : i32
      %dma_wait3A_66 = tpu.memref_slice %arg3[%arg0, %dma_wait3A_64, %dma_wait3A_65] : memref<2x10000x64xf32, #tpu.memory_space<hbm>> -> memref<1x10000x64xf32, #tpu.memory_space<hbm>>
      %dma_wait3A_67 = tpu.memref_squeeze %dma_wait3A_66 : memref<1x10000x64xf32, #tpu.memory_space<hbm>> -> memref<10000x64xf32, #tpu.memory_space<hbm>>
      %dma_wait3A_68 = arith.constant 0 : i32
      %dma_wait3A_69 = arith.constant 0 : i32
      %dma_wait3A_70 = tpu.memref_slice %dma_wait3A_67[%dma_wait3A_68, %dma_wait3A_69] : memref<10000x64xf32, #tpu.memory_space<hbm>> -> memref<10000x64xf32, #tpu.memory_space<hbm>>
      tpu.wait_indirect_dma semaphore(%arg12 : memref<!tpu.dma_semaphore, #tpu.memory_space<semaphore_mem>>) src(%dma_wait3A_70 : memref<10000x64xf32, #tpu.memory_space<hbm>>) dst(%arg8 : memref<125x64xf32, #tpu.memory_space<vmem>>)
      "tpu.region"() ({
        %run_scoped3A_71 = tpu.sem_alloc : memref<!tpu.dma_semaphore, #tpu.memory_space<semaphore_mem>>
        %dma_start3A_72 = arith.constant 0 : i32
        %dma_start3A_73 = tpu.memref_slice %arg6[%add3A_53, %dma_start3A_72] : memref<160x125xi32, #tpu.memory_space<vmem>> -> memref<1x125xi32, #tpu.memory_space<vmem>>
        %dma_start3A_74 = tpu.memref_squeeze %dma_start3A_73 : memref<1x125xi32, #tpu.memory_space<vmem>> -> memref<125xi32, #tpu.memory_space<vmem>>
        %dma_start3A_75 = arith.constant 0 : i32
        %dma_start3A_76 = arith.constant 0 : i32
        %dma_start3A_77 = tpu.memref_slice %arg10[%dma_start3A_75, %dma_start3A_76] : memref<10000x64xf32, #tpu.memory_space<vmem_shared>> -> memref<10000x64xf32, #tpu.memory_space<vmem_shared>>
        tpu.enqueue_indirect_dma source(%arg8 : memref<125x64xf32, #tpu.memory_space<vmem>>) target(%dma_start3A_77 : memref<10000x64xf32, #tpu.memory_space<vmem_shared>>) offsets(%dma_start3A_74 : memref<125xi32, #tpu.memory_space<vmem>>) semaphore(%run_scoped3A_71 : memref<!tpu.dma_semaphore, #tpu.memory_space<semaphore_mem>>) {add = true}
        %dma_wait3A_78 = arith.constant 0 : i32
        %dma_wait3A_79 = tpu.memref_slice %arg6[%add3A_53, %dma_wait3A_78] : memref<160x125xi32, #tpu.memory_space<vmem>> -> memref<1x125xi32, #tpu.memory_space<vmem>>
        %dma_wait3A_80 = tpu.memref_squeeze %dma_wait3A_79 : memref<1x125xi32, #tpu.memory_space<vmem>> -> memref<125xi32, #tpu.memory_space<vmem>>
        %dma_wait3A_81 = arith.constant 0 : i32
        %dma_wait3A_82 = arith.constant 0 : i32
        %dma_wait3A_83 = tpu.memref_slice %arg10[%dma_wait3A_81, %dma_wait3A_82] : memref<10000x64xf32, #tpu.memory_space<vmem_shared>> -> memref<10000x64xf32, #tpu.memory_space<vmem_shared>>
        tpu.wait_indirect_dma semaphore(%run_scoped3A_71 : memref<!tpu.dma_semaphore, #tpu.memory_space<semaphore_mem>>) src(%arg8 : memref<125x64xf32, #tpu.memory_space<vmem>>) dst(%dma_wait3A_83 : memref<10000x64xf32, #tpu.memory_space<vmem_shared>>)
        tpu.yield
      }) : () -> ()
    }
    %scan3A_24 = arith.constant 80 : i32
    %barrier3A_25 = arith.constant 0 : index
    tpu.barrier barrier_id(%barrier3A_25)
    %lt3A_26 = arith.constant 10 : i32
    %lt3A_27 = arith.cmpi slt, %arg1, %lt3A_26 : i32
    %convert_element_type3A_28 = arith.extui %lt3A_27 : i1 to i32
    %cond3A_29 = arith.constant 0 : i32
    %cond3A_30 = arith.cmpi ne, %convert_element_type3A_28, %cond3A_29 : i32
    scf.if %cond3A_30 {
      %mul3A = arith.constant 1000 : i32
      %mul3A_31 = arith.muli %arg1, %mul3A : i32
      %mul3A_32 = arith.constant 1000 : i32
      %mul3A_33 = arith.muli %arg1, %mul3A_32 : i32
      "tpu.region"() ({
        %run_scoped3A_34 = tpu.sem_alloc : memref<!tpu.dma_semaphore, #tpu.memory_space<semaphore_mem>>
        %dma_start3A_35 = arith.constant 0 : i32
        %dma_start3A_36 = tpu.memref_slice %arg4[%arg0, %mul3A_33, %dma_start3A_35] : memref<2x10000x64xf32, #tpu.memory_space<hbm>> -> memref<1x1000x64xf32, #tpu.memory_space<hbm>>
        %dma_start3A_37 = tpu.memref_squeeze %dma_start3A_36 : memref<1x1000x64xf32, #tpu.memory_space<hbm>> -> memref<1000x64xf32, #tpu.memory_space<hbm>>
        %dma_start3A_38 = arith.constant 0 : i32
        %dma_start3A_39 = tpu.memref_slice %arg10[%mul3A_31, %dma_start3A_38] : memref<10000x64xf32, #tpu.memory_space<vmem_shared>> -> memref<1000x64xf32, #tpu.memory_space<vmem_shared>>
        tpu.enqueue_dma source(%dma_start3A_39 : memref<1000x64xf32, #tpu.memory_space<vmem_shared>>) target(%dma_start3A_37 : memref<1000x64xf32, #tpu.memory_space<hbm>>) target_semaphore(%run_scoped3A_34 : memref<!tpu.dma_semaphore, #tpu.memory_space<semaphore_mem>>)
        %dma_wait3A = arith.constant 0 : i32
        %dma_wait3A_40 = tpu.memref_slice %arg4[%arg0, %mul3A_33, %dma_wait3A] : memref<2x10000x64xf32, #tpu.memory_space<hbm>> -> memref<1x1000x64xf32, #tpu.memory_space<hbm>>
        %dma_wait3A_41 = tpu.memref_squeeze %dma_wait3A_40 : memref<1x1000x64xf32, #tpu.memory_space<hbm>> -> memref<1000x64xf32, #tpu.memory_space<hbm>>
        %dma_wait3A_42 = arith.constant 0 : i32
        %dma_wait3A_43 = tpu.memref_slice %arg10[%mul3A_31, %dma_wait3A_42] : memref<10000x64xf32, #tpu.memory_space<vmem_shared>> -> memref<1000x64xf32, #tpu.memory_space<vmem_shared>>
        tpu.wait_dma2 semaphore(%run_scoped3A_34 : memref<!tpu.dma_semaphore, #tpu.memory_space<semaphore_mem>>) src(%dma_wait3A_43 : memref<1000x64xf32, #tpu.memory_space<vmem_shared>>) dst(%dma_wait3A_41 : memref<1000x64xf32, #tpu.memory_space<hbm>>)
        tpu.yield
      }) : () -> ()
    } else {
    }
    return
  }
}

#map = affine_map<(d0, d1) -> (0, 0, 0)>
#map1 = affine_map<(d0, d1) -> (0, 0)>
module attributes {stable_mosaic.version = 14 : i64} {
  func.func @_deg_kernel(%arg0: i32, %arg1: i32, %arg2: memref<2x32x10000xi32, #tpu.memory_space<hbm>>, %arg3: memref<2x10000xf32, #tpu.memory_space<hbm>>, %arg4: memref<10000xi32, #tpu.memory_space<vmem>>, %arg5: memref<10000xf32, #tpu.memory_space<vmem>>, %arg6: memref<16x624xf32, #tpu.memory_space<vmem>>, %arg7: memref<624xf32, #tpu.memory_space<vmem>>, %arg8: memref<16x10000xf32, #tpu.memory_space<vmem_shared>>) attributes {dimension_semantics = [#tpu.dimension_semantics<core_parallel>, #tpu.dimension_semantics<subcore_parallel>], iteration_bounds = array<i64: 2, 16>, scalar_prefetch = 0 : i64, scratch_operands = 5 : i64, tpu.core_type = #tpu.core_type<sc_vector_subcore>, window_params = [{transform_indices = #map}, {transform_indices = #map1}]} {
    %mul3A = arith.constant 16 : i32
    %mul3A_0 = arith.muli %arg0, %mul3A : i32
    %add3A = arith.addi %mul3A_0, %arg1 : i32
    %run_scoped3A = arith.constant 1 : i32
    "tpu.region"() ({
      %run_scoped3A_25 = tpu.sem_alloc : memref<!tpu.dma_semaphore, #tpu.memory_space<semaphore_mem>>
      %dma_start3A = arith.constant 0 : i32
      %dma_start3A_26 = tpu.memref_slice %arg2[%run_scoped3A, %add3A, %dma_start3A] : memref<2x32x10000xi32, #tpu.memory_space<hbm>> -> memref<1x1x10000xi32, #tpu.memory_space<hbm>>
      %dma_start3A_27 = tpu.memref_squeeze %dma_start3A_26 : memref<1x1x10000xi32, #tpu.memory_space<hbm>> -> memref<10000xi32, #tpu.memory_space<hbm>>
      %dma_start3A_28 = arith.constant 0 : i32
      %dma_start3A_29 = tpu.memref_slice %arg2[%run_scoped3A, %add3A, %dma_start3A_28] : memref<2x32x10000xi32, #tpu.memory_space<hbm>> -> memref<1x1x10000xi32, #tpu.memory_space<hbm>>
      %dma_start3A_30 = tpu.memref_squeeze %dma_start3A_29 : memref<1x1x10000xi32, #tpu.memory_space<hbm>> -> memref<10000xi32, #tpu.memory_space<hbm>>
      tpu.enqueue_dma source(%dma_start3A_30 : memref<10000xi32, #tpu.memory_space<hbm>>) target(%arg4 : memref<10000xi32, #tpu.memory_space<vmem>>) target_semaphore(%run_scoped3A_25 : memref<!tpu.dma_semaphore, #tpu.memory_space<semaphore_mem>>)
      %dma_wait3A = arith.constant 0 : i32
      %dma_wait3A_31 = tpu.memref_slice %arg2[%run_scoped3A, %add3A, %dma_wait3A] : memref<2x32x10000xi32, #tpu.memory_space<hbm>> -> memref<1x1x10000xi32, #tpu.memory_space<hbm>>
      %dma_wait3A_32 = tpu.memref_squeeze %dma_wait3A_31 : memref<1x1x10000xi32, #tpu.memory_space<hbm>> -> memref<10000xi32, #tpu.memory_space<hbm>>
      %dma_wait3A_33 = arith.constant 0 : i32
      %dma_wait3A_34 = tpu.memref_slice %arg2[%run_scoped3A, %add3A, %dma_wait3A_33] : memref<2x32x10000xi32, #tpu.memory_space<hbm>> -> memref<1x1x10000xi32, #tpu.memory_space<hbm>>
      %dma_wait3A_35 = tpu.memref_squeeze %dma_wait3A_34 : memref<1x1x10000xi32, #tpu.memory_space<hbm>> -> memref<10000xi32, #tpu.memory_space<hbm>>
      tpu.wait_dma2 semaphore(%run_scoped3A_25 : memref<!tpu.dma_semaphore, #tpu.memory_space<semaphore_mem>>) src(%dma_wait3A_35 : memref<10000xi32, #tpu.memory_space<hbm>>) dst(%arg4 : memref<10000xi32, #tpu.memory_space<vmem>>)
      tpu.yield
    }) : () -> ()
    %broadcast_in_dim3A = arith.constant 0.000000e+00 : f32
    %broadcast_in_dim3A_1 = vector.broadcast %broadcast_in_dim3A : f32 to vector<16xf32>
    %broadcast_in_dim3A_2 = arith.constant 1.000000e+00 : f32
    %broadcast_in_dim3A_3 = vector.broadcast %broadcast_in_dim3A_2 : f32 to vector<16xf32>
    %scan3A = arith.constant 0 : i32
    %scan3A_4 = arith.constant 0 : i32
    %scan3A_5 = arith.constant 625 : i32
    %scan3A_6 = arith.addi %scan3A_4, %scan3A_5 : i32
    %scan3A_7 = arith.constant 1 : i32
    scf.for %scan3A_25 = %scan3A_4 to %scan3A_6 step %scan3A_7  : i32 {
      %mul3A_26 = arith.constant 16 : i32
      %mul3A_27 = arith.muli %scan3A_25, %mul3A_26 : i32
      %swap3A = arith.index_cast %mul3A_27 : i32 to index
      %swap3A_28 = tpu.vector_load %arg5[%swap3A] {strides = array<i32>} : memref<10000xf32, #tpu.memory_space<vmem>>, vector<16xf32>,
      tpu.vector_store %arg5[%swap3A], %broadcast_in_dim3A_1 {strides = array<i32>} : memref<10000xf32, #tpu.memory_space<vmem>>, vector<16xf32>,
    }
    %scan3A_8 = arith.constant 625 : i32
    %scan3A_9 = arith.constant 0 : i32
    %scan3A_10 = arith.constant 0 : i32
    %scan3A_11 = arith.constant 625 : i32
    %scan3A_12 = arith.addi %scan3A_10, %scan3A_11 : i32
    %scan3A_13 = arith.constant 1 : i32
    scf.for %scan3A_25 = %scan3A_10 to %scan3A_12 step %scan3A_13  : i32 {
      %mul3A_26 = arith.constant 16 : i32
      %mul3A_27 = arith.muli %scan3A_25, %mul3A_26 : i32
      %get3A = arith.index_cast %mul3A_27 : i32 to index
      %get3A_28 = tpu.vector_load %arg4[%get3A] {strides = array<i32>} : memref<10000xi32, #tpu.memory_space<vmem>>, vector<16xi32>,
      tpu.vector_store_idx %arg5[%get3A_28], %broadcast_in_dim3A_3 {add = true} : memref<10000xf32, #tpu.memory_space<vmem>>[vector<16xi32>], vector<16xf32>,
    }
    %scan3A_14 = arith.constant 625 : i32
    "tpu.region"() ({
      %run_scoped3A_25 = tpu.sem_alloc : memref<!tpu.dma_semaphore, #tpu.memory_space<semaphore_mem>>
      %dma_start3A = arith.constant 0 : i32
      %dma_start3A_26 = tpu.memref_slice %arg8[%arg1, %dma_start3A] : memref<16x10000xf32, #tpu.memory_space<vmem_shared>> -> memref<1x10000xf32, #tpu.memory_space<vmem_shared>>
      %dma_start3A_27 = tpu.memref_squeeze %dma_start3A_26 : memref<1x10000xf32, #tpu.memory_space<vmem_shared>> -> memref<10000xf32, #tpu.memory_space<vmem_shared>>
      %dma_start3A_28 = arith.constant 0 : i32
      %dma_start3A_29 = tpu.memref_slice %arg8[%arg1, %dma_start3A_28] : memref<16x10000xf32, #tpu.memory_space<vmem_shared>> -> memref<1x10000xf32, #tpu.memory_space<vmem_shared>>
      %dma_start3A_30 = tpu.memref_squeeze %dma_start3A_29 : memref<1x10000xf32, #tpu.memory_space<vmem_shared>> -> memref<10000xf32, #tpu.memory_space<vmem_shared>>
      tpu.enqueue_dma source(%arg5 : memref<10000xf32, #tpu.memory_space<vmem>>) target(%dma_start3A_30 : memref<10000xf32, #tpu.memory_space<vmem_shared>>) target_semaphore(%run_scoped3A_25 : memref<!tpu.dma_semaphore, #tpu.memory_space<semaphore_mem>>)
      %dma_wait3A = arith.constant 0 : i32
      %dma_wait3A_31 = tpu.memref_slice %arg8[%arg1, %dma_wait3A] : memref<16x10000xf32, #tpu.memory_space<vmem_shared>> -> memref<1x10000xf32, #tpu.memory_space<vmem_shared>>
      %dma_wait3A_32 = tpu.memref_squeeze %dma_wait3A_31 : memref<1x10000xf32, #tpu.memory_space<vmem_shared>> -> memref<10000xf32, #tpu.memory_space<vmem_shared>>
      %dma_wait3A_33 = arith.constant 0 : i32
      %dma_wait3A_34 = tpu.memref_slice %arg8[%arg1, %dma_wait3A_33] : memref<16x10000xf32, #tpu.memory_space<vmem_shared>> -> memref<1x10000xf32, #tpu.memory_space<vmem_shared>>
      %dma_wait3A_35 = tpu.memref_squeeze %dma_wait3A_34 : memref<1x10000xf32, #tpu.memory_space<vmem_shared>> -> memref<10000xf32, #tpu.memory_space<vmem_shared>>
      tpu.wait_dma2 semaphore(%run_scoped3A_25 : memref<!tpu.dma_semaphore, #tpu.memory_space<semaphore_mem>>) src(%arg5 : memref<10000xf32, #tpu.memory_space<vmem>>) dst(%dma_wait3A_35 : memref<10000xf32, #tpu.memory_space<vmem_shared>>)
      tpu.yield
    }) : () -> ()
    %barrier3A = arith.constant 0 : index
    tpu.barrier barrier_id(%barrier3A)
    %mul3A_15 = arith.constant 624 : i32
    %mul3A_16 = arith.muli %arg1, %mul3A_15 : i32
    "tpu.region"() ({
      %run_scoped3A_25 = tpu.sem_alloc : memref<!tpu.dma_semaphore, #tpu.memory_space<semaphore_mem>>
      %dma_start3A = arith.constant 0 : i32
      %dma_start3A_26 = arith.constant 0 : i32
      %dma_start3A_27 = tpu.memref_slice %arg6[%dma_start3A, %dma_start3A_26] : memref<16x624xf32, #tpu.memory_space<vmem>> -> memref<16x624xf32, #tpu.memory_space<vmem>>
      %dma_start3A_28 = arith.constant 0 : i32
      %dma_start3A_29 = tpu.memref_slice %arg8[%dma_start3A_28, %mul3A_16] : memref<16x10000xf32, #tpu.memory_space<vmem_shared>> -> memref<16x624xf32, #tpu.memory_space<vmem_shared>>
      %dma_start3A_30 = arith.constant 0 : i32
      %dma_start3A_31 = arith.constant 0 : i32
      %dma_start3A_32 = tpu.memref_slice %arg6[%dma_start3A_30, %dma_start3A_31] : memref<16x624xf32, #tpu.memory_space<vmem>> -> memref<16x624xf32, #tpu.memory_space<vmem>>
      %dma_start3A_33 = arith.constant 0 : i32
      %dma_start3A_34 = tpu.memref_slice %arg8[%dma_start3A_33, %mul3A_16] : memref<16x10000xf32, #tpu.memory_space<vmem_shared>> -> memref<16x624xf32, #tpu.memory_space<vmem_shared>>
      tpu.enqueue_dma source(%dma_start3A_34 : memref<16x624xf32, #tpu.memory_space<vmem_shared>>) target(%dma_start3A_32 : memref<16x624xf32, #tpu.memory_space<vmem>>) target_semaphore(%run_scoped3A_25 : memref<!tpu.dma_semaphore, #tpu.memory_space<semaphore_mem>>)
      %dma_wait3A = arith.constant 0 : i32
      %dma_wait3A_35 = arith.constant 0 : i32
      %dma_wait3A_36 = tpu.memref_slice %arg6[%dma_wait3A, %dma_wait3A_35] : memref<16x624xf32, #tpu.memory_space<vmem>> -> memref<16x624xf32, #tpu.memory_space<vmem>>
      %dma_wait3A_37 = arith.constant 0 : i32
      %dma_wait3A_38 = tpu.memref_slice %arg8[%dma_wait3A_37, %mul3A_16] : memref<16x10000xf32, #tpu.memory_space<vmem_shared>> -> memref<16x624xf32, #tpu.memory_space<vmem_shared>>
      %dma_wait3A_39 = arith.constant 0 : i32
      %dma_wait3A_40 = arith.constant 0 : i32
      %dma_wait3A_41 = tpu.memref_slice %arg6[%dma_wait3A_39, %dma_wait3A_40] : memref<16x624xf32, #tpu.memory_space<vmem>> -> memref<16x624xf32, #tpu.memory_space<vmem>>
      %dma_wait3A_42 = arith.constant 0 : i32
      %dma_wait3A_43 = tpu.memref_slice %arg8[%dma_wait3A_42, %mul3A_16] : memref<16x10000xf32, #tpu.memory_space<vmem_shared>> -> memref<16x624xf32, #tpu.memory_space<vmem_shared>>
      tpu.wait_dma2 semaphore(%run_scoped3A_25 : memref<!tpu.dma_semaphore, #tpu.memory_space<semaphore_mem>>) src(%dma_wait3A_43 : memref<16x624xf32, #tpu.memory_space<vmem_shared>>) dst(%dma_wait3A_41 : memref<16x624xf32, #tpu.memory_space<vmem>>)
      tpu.yield
    }) : () -> ()
    %scan3A_17 = arith.constant 0 : i32
    %scan3A_18 = arith.constant 0 : i32
    %scan3A_19 = arith.constant 39 : i32
    %scan3A_20 = arith.addi %scan3A_18, %scan3A_19 : i32
    %scan3A_21 = arith.constant 1 : i32
    scf.for %scan3A_25 = %scan3A_18 to %scan3A_20 step %scan3A_21  : i32 {
      %mul3A_26 = arith.constant 16 : i32
      %mul3A_27 = arith.muli %scan3A_25, %mul3A_26 : i32
      %get3A = arith.constant 0 : i32
      %get3A_28 = arith.index_cast %get3A : i32 to index
      %get3A_29 = arith.index_cast %mul3A_27 : i32 to index
      %get3A_30 = tpu.vector_load %arg6[%get3A_28, %get3A_29] {strides = array<i32>} : memref<16x624xf32, #tpu.memory_space<vmem>>, vector<16xf32>,
      %get3A_31 = arith.constant 1 : i32
      %get3A_32 = arith.index_cast %get3A_31 : i32 to index
      %get3A_33 = arith.index_cast %mul3A_27 : i32 to index
      %get3A_34 = tpu.vector_load %arg6[%get3A_32, %get3A_33] {strides = array<i32>} : memref<16x624xf32, #tpu.memory_space<vmem>>, vector<16xf32>,
      %add3A_35 = arith.addf %get3A_30, %get3A_34 : vector<16xf32>
      %get3A_36 = arith.constant 2 : i32
      %get3A_37 = arith.index_cast %get3A_36 : i32 to index
      %get3A_38 = arith.index_cast %mul3A_27 : i32 to index
      %get3A_39 = tpu.vector_load %arg6[%get3A_37, %get3A_38] {strides = array<i32>} : memref<16x624xf32, #tpu.memory_space<vmem>>, vector<16xf32>,
      %add3A_40 = arith.addf %add3A_35, %get3A_39 : vector<16xf32>
      %get3A_41 = arith.constant 3 : i32
      %get3A_42 = arith.index_cast %get3A_41 : i32 to index
      %get3A_43 = arith.index_cast %mul3A_27 : i32 to index
      %get3A_44 = tpu.vector_load %arg6[%get3A_42, %get3A_43] {strides = array<i32>} : memref<16x624xf32, #tpu.memory_space<vmem>>, vector<16xf32>,
      %add3A_45 = arith.addf %add3A_40, %get3A_44 : vector<16xf32>
      %get3A_46 = arith.constant 4 : i32
      %get3A_47 = arith.index_cast %get3A_46 : i32 to index
      %get3A_48 = arith.index_cast %mul3A_27 : i32 to index
      %get3A_49 = tpu.vector_load %arg6[%get3A_47, %get3A_48] {strides = array<i32>} : memref<16x624xf32, #tpu.memory_space<vmem>>, vector<16xf32>,
      %add3A_50 = arith.addf %add3A_45, %get3A_49 : vector<16xf32>
      %get3A_51 = arith.constant 5 : i32
      %get3A_52 = arith.index_cast %get3A_51 : i32 to index
      %get3A_53 = arith.index_cast %mul3A_27 : i32 to index
      %get3A_54 = tpu.vector_load %arg6[%get3A_52, %get3A_53] {strides = array<i32>} : memref<16x624xf32, #tpu.memory_space<vmem>>, vector<16xf32>,
      %add3A_55 = arith.addf %add3A_50, %get3A_54 : vector<16xf32>
      %get3A_56 = arith.constant 6 : i32
      %get3A_57 = arith.index_cast %get3A_56 : i32 to index
      %get3A_58 = arith.index_cast %mul3A_27 : i32 to index
      %get3A_59 = tpu.vector_load %arg6[%get3A_57, %get3A_58] {strides = array<i32>} : memref<16x624xf32, #tpu.memory_space<vmem>>, vector<16xf32>,
      %add3A_60 = arith.addf %add3A_55, %get3A_59 : vector<16xf32>
      %get3A_61 = arith.constant 7 : i32
      %get3A_62 = arith.index_cast %get3A_61 : i32 to index
      %get3A_63 = arith.index_cast %mul3A_27 : i32 to index
      %get3A_64 = tpu.vector_load %arg6[%get3A_62, %get3A_63] {strides = array<i32>} : memref<16x624xf32, #tpu.memory_space<vmem>>, vector<16xf32>,
      %add3A_65 = arith.addf %add3A_60, %get3A_64 : vector<16xf32>
      %get3A_66 = arith.constant 8 : i32
      %get3A_67 = arith.index_cast %get3A_66 : i32 to index
      %get3A_68 = arith.index_cast %mul3A_27 : i32 to index
      %get3A_69 = tpu.vector_load %arg6[%get3A_67, %get3A_68] {strides = array<i32>} : memref<16x624xf32, #tpu.memory_space<vmem>>, vector<16xf32>,
      %add3A_70 = arith.addf %add3A_65, %get3A_69 : vector<16xf32>
      %get3A_71 = arith.constant 9 : i32
      %get3A_72 = arith.index_cast %get3A_71 : i32 to index
      %get3A_73 = arith.index_cast %mul3A_27 : i32 to index
      %get3A_74 = tpu.vector_load %arg6[%get3A_72, %get3A_73] {strides = array<i32>} : memref<16x624xf32, #tpu.memory_space<vmem>>, vector<16xf32>,
      %add3A_75 = arith.addf %add3A_70, %get3A_74 : vector<16xf32>
      %get3A_76 = arith.constant 10 : i32
      %get3A_77 = arith.index_cast %get3A_76 : i32 to index
      %get3A_78 = arith.index_cast %mul3A_27 : i32 to index
      %get3A_79 = tpu.vector_load %arg6[%get3A_77, %get3A_78] {strides = array<i32>} : memref<16x624xf32, #tpu.memory_space<vmem>>, vector<16xf32>,
      %add3A_80 = arith.addf %add3A_75, %get3A_79 : vector<16xf32>
      %get3A_81 = arith.constant 11 : i32
      %get3A_82 = arith.index_cast %get3A_81 : i32 to index
      %get3A_83 = arith.index_cast %mul3A_27 : i32 to index
      %get3A_84 = tpu.vector_load %arg6[%get3A_82, %get3A_83] {strides = array<i32>} : memref<16x624xf32, #tpu.memory_space<vmem>>, vector<16xf32>,
      %add3A_85 = arith.addf %add3A_80, %get3A_84 : vector<16xf32>
      %get3A_86 = arith.constant 12 : i32
      %get3A_87 = arith.index_cast %get3A_86 : i32 to index
      %get3A_88 = arith.index_cast %mul3A_27 : i32 to index
      %get3A_89 = tpu.vector_load %arg6[%get3A_87, %get3A_88] {strides = array<i32>} : memref<16x624xf32, #tpu.memory_space<vmem>>, vector<16xf32>,
      %add3A_90 = arith.addf %add3A_85, %get3A_89 : vector<16xf32>
      %get3A_91 = arith.constant 13 : i32
      %get3A_92 = arith.index_cast %get3A_91 : i32 to index
      %get3A_93 = arith.index_cast %mul3A_27 : i32 to index
      %get3A_94 = tpu.vector_load %arg6[%get3A_92, %get3A_93] {strides = array<i32>} : memref<16x624xf32, #tpu.memory_space<vmem>>, vector<16xf32>,
      %add3A_95 = arith.addf %add3A_90, %get3A_94 : vector<16xf32>
      %get3A_96 = arith.constant 14 : i32
      %get3A_97 = arith.index_cast %get3A_96 : i32 to index
      %get3A_98 = arith.index_cast %mul3A_27 : i32 to index
      %get3A_99 = tpu.vector_load %arg6[%get3A_97, %get3A_98] {strides = array<i32>} : memref<16x624xf32, #tpu.memory_space<vmem>>, vector<16xf32>,
      %add3A_100 = arith.addf %add3A_95, %get3A_99 : vector<16xf32>
      %get3A_101 = arith.constant 15 : i32
      %get3A_102 = arith.index_cast %get3A_101 : i32 to index
      %get3A_103 = arith.index_cast %mul3A_27 : i32 to index
      %get3A_104 = tpu.vector_load %arg6[%get3A_102, %get3A_103] {strides = array<i32>} : memref<16x624xf32, #tpu.memory_space<vmem>>, vector<16xf32>,
      %add3A_105 = arith.addf %add3A_100, %get3A_104 : vector<16xf32>
      %swap3A = arith.index_cast %mul3A_27 : i32 to index
      %swap3A_106 = tpu.vector_load %arg7[%swap3A] {strides = array<i32>} : memref<624xf32, #tpu.memory_space<vmem>>, vector<16xf32>,
      tpu.vector_store %arg7[%swap3A], %add3A_105 {strides = array<i32>} : memref<624xf32, #tpu.memory_space<vmem>>, vector<16xf32>,
    }
    %scan3A_22 = arith.constant 39 : i32
    "tpu.region"() ({
      %run_scoped3A_25 = tpu.sem_alloc : memref<!tpu.dma_semaphore, #tpu.memory_space<semaphore_mem>>
      %dma_start3A = arith.constant 0 : i32
      %dma_start3A_26 = tpu.memref_slice %arg7[%dma_start3A] : memref<624xf32, #tpu.memory_space<vmem>> -> memref<624xf32, #tpu.memory_space<vmem>>
      %dma_start3A_27 = tpu.memref_slice %arg3[%arg0, %mul3A_16] : memref<2x10000xf32, #tpu.memory_space<hbm>> -> memref<1x624xf32, #tpu.memory_space<hbm>>
      %dma_start3A_28 = tpu.memref_squeeze %dma_start3A_27 : memref<1x624xf32, #tpu.memory_space<hbm>> -> memref<624xf32, #tpu.memory_space<hbm>>
      %dma_start3A_29 = tpu.memref_slice %arg3[%arg0, %mul3A_16] : memref<2x10000xf32, #tpu.memory_space<hbm>> -> memref<1x624xf32, #tpu.memory_space<hbm>>
      %dma_start3A_30 = tpu.memref_squeeze %dma_start3A_29 : memref<1x624xf32, #tpu.memory_space<hbm>> -> memref<624xf32, #tpu.memory_space<hbm>>
      %dma_start3A_31 = arith.constant 0 : i32
      %dma_start3A_32 = tpu.memref_slice %arg7[%dma_start3A_31] : memref<624xf32, #tpu.memory_space<vmem>> -> memref<624xf32, #tpu.memory_space<vmem>>
      tpu.enqueue_dma source(%dma_start3A_32 : memref<624xf32, #tpu.memory_space<vmem>>) target(%dma_start3A_30 : memref<624xf32, #tpu.memory_space<hbm>>) target_semaphore(%run_scoped3A_25 : memref<!tpu.dma_semaphore, #tpu.memory_space<semaphore_mem>>)
      %dma_wait3A = arith.constant 0 : i32
      %dma_wait3A_33 = tpu.memref_slice %arg7[%dma_wait3A] : memref<624xf32, #tpu.memory_space<vmem>> -> memref<624xf32, #tpu.memory_space<vmem>>
      %dma_wait3A_34 = tpu.memref_slice %arg3[%arg0, %mul3A_16] : memref<2x10000xf32, #tpu.memory_space<hbm>> -> memref<1x624xf32, #tpu.memory_space<hbm>>
      %dma_wait3A_35 = tpu.memref_squeeze %dma_wait3A_34 : memref<1x624xf32, #tpu.memory_space<hbm>> -> memref<624xf32, #tpu.memory_space<hbm>>
      %dma_wait3A_36 = tpu.memref_slice %arg3[%arg0, %mul3A_16] : memref<2x10000xf32, #tpu.memory_space<hbm>> -> memref<1x624xf32, #tpu.memory_space<hbm>>
      %dma_wait3A_37 = tpu.memref_squeeze %dma_wait3A_36 : memref<1x624xf32, #tpu.memory_space<hbm>> -> memref<624xf32, #tpu.memory_space<hbm>>
      %dma_wait3A_38 = arith.constant 0 : i32
      %dma_wait3A_39 = tpu.memref_slice %arg7[%dma_wait3A_38] : memref<624xf32, #tpu.memory_space<vmem>> -> memref<624xf32, #tpu.memory_space<vmem>>
      tpu.wait_dma2 semaphore(%run_scoped3A_25 : memref<!tpu.dma_semaphore, #tpu.memory_space<semaphore_mem>>) src(%dma_wait3A_39 : memref<624xf32, #tpu.memory_space<vmem>>) dst(%dma_wait3A_37 : memref<624xf32, #tpu.memory_space<hbm>>)
      tpu.yield
    }) : () -> ()
    %eq3A = arith.constant 15 : i32
    %eq3A_23 = arith.cmpi eq, %arg1, %eq3A : i32
    %convert_element_type3A = arith.extui %eq3A_23 : i1 to i32
    %cond3A = arith.constant 0 : i32
    %cond3A_24 = arith.cmpi ne, %convert_element_type3A, %cond3A : i32
    scf.if %cond3A_24 {
      "tpu.region"() ({
        %run_scoped3A_109 = tpu.sem_alloc : memref<!tpu.dma_semaphore, #tpu.memory_space<semaphore_mem>>
        %dma_start3A = arith.constant 0 : i32
        %dma_start3A_110 = arith.constant 0 : i32
        %dma_start3A_111 = tpu.memref_slice %arg6[%dma_start3A, %dma_start3A_110] : memref<16x624xf32, #tpu.memory_space<vmem>> -> memref<16x16xf32, #tpu.memory_space<vmem>>
        %dma_start3A_112 = arith.constant 0 : i32
        %dma_start3A_113 = arith.constant 9984 : i32
        %dma_start3A_114 = tpu.memref_slice %arg8[%dma_start3A_112, %dma_start3A_113] : memref<16x10000xf32, #tpu.memory_space<vmem_shared>> -> memref<16x16xf32, #tpu.memory_space<vmem_shared>>
        %dma_start3A_115 = arith.constant 0 : i32
        %dma_start3A_116 = arith.constant 0 : i32
        %dma_start3A_117 = tpu.memref_slice %arg6[%dma_start3A_115, %dma_start3A_116] : memref<16x624xf32, #tpu.memory_space<vmem>> -> memref<16x16xf32, #tpu.memory_space<vmem>>
        %dma_start3A_118 = arith.constant 0 : i32
        %dma_start3A_119 = arith.constant 9984 : i32
        %dma_start3A_120 = tpu.memref_slice %arg8[%dma_start3A_118, %dma_start3A_119] : memref<16x10000xf32, #tpu.memory_space<vmem_shared>> -> memref<16x16xf32, #tpu.memory_space<vmem_shared>>
        tpu.enqueue_dma source(%dma_start3A_120 : memref<16x16xf32, #tpu.memory_space<vmem_shared>>) target(%dma_start3A_117 : memref<16x16xf32, #tpu.memory_space<vmem>>) target_semaphore(%run_scoped3A_109 : memref<!tpu.dma_semaphore, #tpu.memory_space<semaphore_mem>>)
        %dma_wait3A = arith.constant 0 : i32
        %dma_wait3A_121 = arith.constant 0 : i32
        %dma_wait3A_122 = tpu.memref_slice %arg6[%dma_wait3A, %dma_wait3A_121] : memref<16x624xf32, #tpu.memory_space<vmem>> -> memref<16x16xf32, #tpu.memory_space<vmem>>
        %dma_wait3A_123 = arith.constant 0 : i32
        %dma_wait3A_124 = arith.constant 9984 : i32
        %dma_wait3A_125 = tpu.memref_slice %arg8[%dma_wait3A_123, %dma_wait3A_124] : memref<16x10000xf32, #tpu.memory_space<vmem_shared>> -> memref<16x16xf32, #tpu.memory_space<vmem_shared>>
        %dma_wait3A_126 = arith.constant 0 : i32
        %dma_wait3A_127 = arith.constant 0 : i32
        %dma_wait3A_128 = tpu.memref_slice %arg6[%dma_wait3A_126, %dma_wait3A_127] : memref<16x624xf32, #tpu.memory_space<vmem>> -> memref<16x16xf32, #tpu.memory_space<vmem>>
        %dma_wait3A_129 = arith.constant 0 : i32
        %dma_wait3A_130 = arith.constant 9984 : i32
        %dma_wait3A_131 = tpu.memref_slice %arg8[%dma_wait3A_129, %dma_wait3A_130] : memref<16x10000xf32, #tpu.memory_space<vmem_shared>> -> memref<16x16xf32, #tpu.memory_space<vmem_shared>>
        tpu.wait_dma2 semaphore(%run_scoped3A_109 : memref<!tpu.dma_semaphore, #tpu.memory_space<semaphore_mem>>) src(%dma_wait3A_131 : memref<16x16xf32, #tpu.memory_space<vmem_shared>>) dst(%dma_wait3A_128 : memref<16x16xf32, #tpu.memory_space<vmem>>)
        tpu.yield
      }) : () -> ()
      %scan3A_25 = arith.constant 0 : i32
      %scan3A_26 = arith.constant 0 : i32
      %mul3A_27 = arith.constant 16 : i32
      %mul3A_28 = arith.muli %scan3A_26, %mul3A_27 : i32
      %get3A = arith.constant 0 : i32
      %get3A_29 = arith.index_cast %get3A : i32 to index
      %get3A_30 = arith.index_cast %mul3A_28 : i32 to index
      %get3A_31 = tpu.vector_load %arg6[%get3A_29, %get3A_30] {strides = array<i32>} : memref<16x624xf32, #tpu.memory_space<vmem>>, vector<16xf32>,
      %get3A_32 = arith.constant 1 : i32
      %get3A_33 = arith.index_cast %get3A_32 : i32 to index
      %get3A_34 = arith.index_cast %mul3A_28 : i32 to index
      %get3A_35 = tpu.vector_load %arg6[%get3A_33, %get3A_34] {strides = array<i32>} : memref<16x624xf32, #tpu.memory_space<vmem>>, vector<16xf32>,
      %add3A_36 = arith.addf %get3A_31, %get3A_35 : vector<16xf32>
      %get3A_37 = arith.constant 2 : i32
      %get3A_38 = arith.index_cast %get3A_37 : i32 to index
      %get3A_39 = arith.index_cast %mul3A_28 : i32 to index
      %get3A_40 = tpu.vector_load %arg6[%get3A_38, %get3A_39] {strides = array<i32>} : memref<16x624xf32, #tpu.memory_space<vmem>>, vector<16xf32>,
      %add3A_41 = arith.addf %add3A_36, %get3A_40 : vector<16xf32>
      %get3A_42 = arith.constant 3 : i32
      %get3A_43 = arith.index_cast %get3A_42 : i32 to index
      %get3A_44 = arith.index_cast %mul3A_28 : i32 to index
      %get3A_45 = tpu.vector_load %arg6[%get3A_43, %get3A_44] {strides = array<i32>} : memref<16x624xf32, #tpu.memory_space<vmem>>, vector<16xf32>,
      %add3A_46 = arith.addf %add3A_41, %get3A_45 : vector<16xf32>
      %get3A_47 = arith.constant 4 : i32
      %get3A_48 = arith.index_cast %get3A_47 : i32 to index
      %get3A_49 = arith.index_cast %mul3A_28 : i32 to index
      %get3A_50 = tpu.vector_load %arg6[%get3A_48, %get3A_49] {strides = array<i32>} : memref<16x624xf32, #tpu.memory_space<vmem>>, vector<16xf32>,
      %add3A_51 = arith.addf %add3A_46, %get3A_50 : vector<16xf32>
      %get3A_52 = arith.constant 5 : i32
      %get3A_53 = arith.index_cast %get3A_52 : i32 to index
      %get3A_54 = arith.index_cast %mul3A_28 : i32 to index
      %get3A_55 = tpu.vector_load %arg6[%get3A_53, %get3A_54] {strides = array<i32>} : memref<16x624xf32, #tpu.memory_space<vmem>>, vector<16xf32>,
      %add3A_56 = arith.addf %add3A_51, %get3A_55 : vector<16xf32>
      %get3A_57 = arith.constant 6 : i32
      %get3A_58 = arith.index_cast %get3A_57 : i32 to index
      %get3A_59 = arith.index_cast %mul3A_28 : i32 to index
      %get3A_60 = tpu.vector_load %arg6[%get3A_58, %get3A_59] {strides = array<i32>} : memref<16x624xf32, #tpu.memory_space<vmem>>, vector<16xf32>,
      %add3A_61 = arith.addf %add3A_56, %get3A_60 : vector<16xf32>
      %get3A_62 = arith.constant 7 : i32
      %get3A_63 = arith.index_cast %get3A_62 : i32 to index
      %get3A_64 = arith.index_cast %mul3A_28 : i32 to index
      %get3A_65 = tpu.vector_load %arg6[%get3A_63, %get3A_64] {strides = array<i32>} : memref<16x624xf32, #tpu.memory_space<vmem>>, vector<16xf32>,
      %add3A_66 = arith.addf %add3A_61, %get3A_65 : vector<16xf32>
      %get3A_67 = arith.constant 8 : i32
      %get3A_68 = arith.index_cast %get3A_67 : i32 to index
      %get3A_69 = arith.index_cast %mul3A_28 : i32 to index
      %get3A_70 = tpu.vector_load %arg6[%get3A_68, %get3A_69] {strides = array<i32>} : memref<16x624xf32, #tpu.memory_space<vmem>>, vector<16xf32>,
      %add3A_71 = arith.addf %add3A_66, %get3A_70 : vector<16xf32>
      %get3A_72 = arith.constant 9 : i32
      %get3A_73 = arith.index_cast %get3A_72 : i32 to index
      %get3A_74 = arith.index_cast %mul3A_28 : i32 to index
      %get3A_75 = tpu.vector_load %arg6[%get3A_73, %get3A_74] {strides = array<i32>} : memref<16x624xf32, #tpu.memory_space<vmem>>, vector<16xf32>,
      %add3A_76 = arith.addf %add3A_71, %get3A_75 : vector<16xf32>
      %get3A_77 = arith.constant 10 : i32
      %get3A_78 = arith.index_cast %get3A_77 : i32 to index
      %get3A_79 = arith.index_cast %mul3A_28 : i32 to index
      %get3A_80 = tpu.vector_load %arg6[%get3A_78, %get3A_79] {strides = array<i32>} : memref<16x624xf32, #tpu.memory_space<vmem>>, vector<16xf32>,
      %add3A_81 = arith.addf %add3A_76, %get3A_80 : vector<16xf32>
      %get3A_82 = arith.constant 11 : i32
      %get3A_83 = arith.index_cast %get3A_82 : i32 to index
      %get3A_84 = arith.index_cast %mul3A_28 : i32 to index
      %get3A_85 = tpu.vector_load %arg6[%get3A_83, %get3A_84] {strides = array<i32>} : memref<16x624xf32, #tpu.memory_space<vmem>>, vector<16xf32>,
      %add3A_86 = arith.addf %add3A_81, %get3A_85 : vector<16xf32>
      %get3A_87 = arith.constant 12 : i32
      %get3A_88 = arith.index_cast %get3A_87 : i32 to index
      %get3A_89 = arith.index_cast %mul3A_28 : i32 to index
      %get3A_90 = tpu.vector_load %arg6[%get3A_88, %get3A_89] {strides = array<i32>} : memref<16x624xf32, #tpu.memory_space<vmem>>, vector<16xf32>,
      %add3A_91 = arith.addf %add3A_86, %get3A_90 : vector<16xf32>
      %get3A_92 = arith.constant 13 : i32
      %get3A_93 = arith.index_cast %get3A_92 : i32 to index
      %get3A_94 = arith.index_cast %mul3A_28 : i32 to index
      %get3A_95 = tpu.vector_load %arg6[%get3A_93, %get3A_94] {strides = array<i32>} : memref<16x624xf32, #tpu.memory_space<vmem>>, vector<16xf32>,
      %add3A_96 = arith.addf %add3A_91, %get3A_95 : vector<16xf32>
      %get3A_97 = arith.constant 14 : i32
      %get3A_98 = arith.index_cast %get3A_97 : i32 to index
      %get3A_99 = arith.index_cast %mul3A_28 : i32 to index
      %get3A_100 = tpu.vector_load %arg6[%get3A_98, %get3A_99] {strides = array<i32>} : memref<16x624xf32, #tpu.memory_space<vmem>>, vector<16xf32>,
      %add3A_101 = arith.addf %add3A_96, %get3A_100 : vector<16xf32>
      %get3A_102 = arith.constant 15 : i32
      %get3A_103 = arith.index_cast %get3A_102 : i32 to index
      %get3A_104 = arith.index_cast %mul3A_28 : i32 to index
      %get3A_105 = tpu.vector_load %arg6[%get3A_103, %get3A_104] {strides = array<i32>} : memref<16x624xf32, #tpu.memory_space<vmem>>, vector<16xf32>,
      %add3A_106 = arith.addf %add3A_101, %get3A_105 : vector<16xf32>
      %swap3A = arith.index_cast %mul3A_28 : i32 to index
      %swap3A_107 = tpu.vector_load %arg7[%swap3A] {strides = array<i32>} : memref<624xf32, #tpu.memory_space<vmem>>, vector<16xf32>,
      tpu.vector_store %arg7[%swap3A], %add3A_106 {strides = array<i32>} : memref<624xf32, #tpu.memory_space<vmem>>, vector<16xf32>,
      %scan3A_108 = arith.constant 1 : i32
      "tpu.region"() ({
        %run_scoped3A_109 = tpu.sem_alloc : memref<!tpu.dma_semaphore, #tpu.memory_space<semaphore_mem>>
        %dma_start3A = arith.constant 0 : i32
        %dma_start3A_110 = tpu.memref_slice %arg7[%dma_start3A] : memref<624xf32, #tpu.memory_space<vmem>> -> memref<16xf32, #tpu.memory_space<vmem>>
        %dma_start3A_111 = arith.constant 9984 : i32
        %dma_start3A_112 = tpu.memref_slice %arg3[%arg0, %dma_start3A_111] : memref<2x10000xf32, #tpu.memory_space<hbm>> -> memref<1x16xf32, #tpu.memory_space<hbm>>
        %dma_start3A_113 = tpu.memref_squeeze %dma_start3A_112 : memref<1x16xf32, #tpu.memory_space<hbm>> -> memref<16xf32, #tpu.memory_space<hbm>>
        %dma_start3A_114 = arith.constant 9984 : i32
        %dma_start3A_115 = tpu.memref_slice %arg3[%arg0, %dma_start3A_114] : memref<2x10000xf32, #tpu.memory_space<hbm>> -> memref<1x16xf32, #tpu.memory_space<hbm>>
        %dma_start3A_116 = tpu.memref_squeeze %dma_start3A_115 : memref<1x16xf32, #tpu.memory_space<hbm>> -> memref<16xf32, #tpu.memory_space<hbm>>
        %dma_start3A_117 = arith.constant 0 : i32
        %dma_start3A_118 = tpu.memref_slice %arg7[%dma_start3A_117] : memref<624xf32, #tpu.memory_space<vmem>> -> memref<16xf32, #tpu.memory_space<vmem>>
        tpu.enqueue_dma source(%dma_start3A_118 : memref<16xf32, #tpu.memory_space<vmem>>) target(%dma_start3A_116 : memref<16xf32, #tpu.memory_space<hbm>>) target_semaphore(%run_scoped3A_109 : memref<!tpu.dma_semaphore, #tpu.memory_space<semaphore_mem>>)
        %dma_wait3A = arith.constant 0 : i32
        %dma_wait3A_119 = tpu.memref_slice %arg7[%dma_wait3A] : memref<624xf32, #tpu.memory_space<vmem>> -> memref<16xf32, #tpu.memory_space<vmem>>
        %dma_wait3A_120 = arith.constant 9984 : i32
        %dma_wait3A_121 = tpu.memref_slice %arg3[%arg0, %dma_wait3A_120] : memref<2x10000xf32, #tpu.memory_space<hbm>> -> memref<1x16xf32, #tpu.memory_space<hbm>>
        %dma_wait3A_122 = tpu.memref_squeeze %dma_wait3A_121 : memref<1x16xf32, #tpu.memory_space<hbm>> -> memref<16xf32, #tpu.memory_space<hbm>>
        %dma_wait3A_123 = arith.constant 9984 : i32
        %dma_wait3A_124 = tpu.memref_slice %arg3[%arg0, %dma_wait3A_123] : memref<2x10000xf32, #tpu.memory_space<hbm>> -> memref<1x16xf32, #tpu.memory_space<hbm>>
        %dma_wait3A_125 = tpu.memref_squeeze %dma_wait3A_124 : memref<1x16xf32, #tpu.memory_space<hbm>> -> memref<16xf32, #tpu.memory_space<hbm>>
        %dma_wait3A_126 = arith.constant 0 : i32
        %dma_wait3A_127 = tpu.memref_slice %arg7[%dma_wait3A_126] : memref<624xf32, #tpu.memory_space<vmem>> -> memref<16xf32, #tpu.memory_space<vmem>>
        tpu.wait_dma2 semaphore(%run_scoped3A_109 : memref<!tpu.dma_semaphore, #tpu.memory_space<semaphore_mem>>) src(%dma_wait3A_127 : memref<16xf32, #tpu.memory_space<vmem>>) dst(%dma_wait3A_125 : memref<16xf32, #tpu.memory_space<hbm>>)
        tpu.yield
      }) : () -> ()
    } else {
    }
    return
  }
}

module attributes {stable_mosaic.version = 14 : i64} {
  func.func @_stage_b_body(%arg0: i32, %arg1: memref<2000x128xf32, #tpu.memory_space<vmem>>, %arg2: memref<128x128xf32, #tpu.memory_space<vmem>>, %arg3: memref<2x2000x1xf32, #tpu.memory_space<vmem>>, %arg4: memref<2x2000x64xf32, #tpu.memory_space<vmem>>, %arg5: memref<2000x1xf32, #tpu.memory_space<vmem>>) attributes {dimension_semantics = [#tpu.dimension_semantics<arbitrary>], iteration_bounds = array<i64: 5>, scalar_prefetch = 0 : i64, scratch_operands = 0 : i64, tpu.core_type = #tpu.core_type<tc>, window_params = [{transform_indices = @transform_0, window_bounds = array<i64: 2000, 128>}, {pipeline_mode = #tpu.pipeline_mode<synchronous>, transform_indices = @transform_1, window_bounds = array<i64: 128, 128>}, {transform_indices = @transform_2, window_bounds = array<i64: 2, 2000, 1>}, {transform_indices = @transform_3, window_bounds = array<i64: 2, 2000, 64>}, {transform_indices = @transform_4, window_bounds = array<i64: 2000, 1>}]} {
    %get3A = arith.constant 0 : index
    %get3A_0 = arith.constant 0 : index
    %get3A_1 = arith.constant 0 : index
    %get3A_2 = vector.load %arg3[%get3A, %get3A_0, %get3A_1] : memref<2x2000x1xf32, #tpu.memory_space<vmem>>, vector<2x2000x1xf32>
    %reduce_sum3A = arith.constant dense<0.000000e+00> : vector<2000x1xf32>
    %reduce_sum3A_3 = vector.multi_reduction <add>, %get3A_2, %reduce_sum3A [0] : vector<2x2000x1xf32> to vector<2000x1xf32>
    %add3A = arith.constant 1.000000e+00 : f32
    %add3A_4 = vector.broadcast %add3A : f32 to vector<2000x1xf32>
    %add3A_5 = arith.addf %reduce_sum3A_3, %add3A_4 : vector<2000x1xf32>
    %rsqrt3A = math.rsqrt %add3A_5 : vector<2000x1xf32>
    %get3A_6 = arith.constant 0 : index
    %get3A_7 = arith.constant 0 : index
    %get3A_8 = vector.load %arg1[%get3A_6, %get3A_7] : memref<2000x128xf32, #tpu.memory_space<vmem>>, vector<2000x128xf32>
    %get3A_9 = arith.constant 0 : index
    %get3A_10 = arith.constant 0 : index
    %get3A_11 = vector.load %arg2[%get3A_9, %get3A_10] : memref<128x128xf32, #tpu.memory_space<vmem>>, vector<128x128xf32>
    %dot_general3A = arith.constant dense<0.000000e+00> : vector<2000x128xf32>
    %dot_general3A_12 = tpu.matmul %get3A_8, %get3A_11, %dot_general3A {dimension_numbers = #tpu.dot_dimension_numbers<[1], [0], [0], [1], [0, 0, 1, 1], [], []>, transpose_lhs_hint = false} : vector<2000x128xf32>, vector<128x128xf32>, vector<2000x128xf32> -> vector<2000x128xf32>
    %mul3A = vector.broadcast %rsqrt3A : vector<2000x1xf32> to vector<2000x128xf32>
    %mul3A_13 = arith.mulf %dot_general3A_12, %mul3A : vector<2000x128xf32>
    %slice3A = vector.extract_strided_slice %mul3A_13 {offsets = [0, 0], sizes = [2000, 64], strides = [1, 1]} : vector<2000x128xf32> to vector<2000x64xf32>
    %swap3A = arith.constant 0 : index
    %swap3A_14 = arith.constant 0 : index
    %swap3A_15 = arith.constant 0 : index
    %swap3A_16 = vector.load %arg4[%swap3A, %swap3A_14, %swap3A_15] : memref<2x2000x64xf32, #tpu.memory_space<vmem>>, vector<1x2000x64xf32>
    %swap3A_17 = vector.shape_cast %swap3A_16 : vector<1x2000x64xf32> to vector<2000x64xf32>
    %swap3A_18 = vector.shape_cast %slice3A : vector<2000x64xf32> to vector<1x2000x64xf32>
    tpu.vector_store %arg4[%swap3A, %swap3A_14, %swap3A_15], %swap3A_18 {strides = array<i32>} : memref<2x2000x64xf32, #tpu.memory_space<vmem>>, vector<1x2000x64xf32>,
    %slice3A_19 = vector.extract_strided_slice %mul3A_13 {offsets = [0, 64], sizes = [2000, 64], strides = [1, 1]} : vector<2000x128xf32> to vector<2000x64xf32>
    %swap3A_20 = arith.constant 1 : index
    %swap3A_21 = arith.constant 0 : index
    %swap3A_22 = arith.constant 0 : index
    %swap3A_23 = vector.load %arg4[%swap3A_20, %swap3A_21, %swap3A_22] : memref<2x2000x64xf32, #tpu.memory_space<vmem>>, vector<1x2000x64xf32>
    %swap3A_24 = vector.shape_cast %swap3A_23 : vector<1x2000x64xf32> to vector<2000x64xf32>
    %swap3A_25 = vector.shape_cast %slice3A_19 : vector<2000x64xf32> to vector<1x2000x64xf32>
    tpu.vector_store %arg4[%swap3A_20, %swap3A_21, %swap3A_22], %swap3A_25 {strides = array<i32>} : memref<2x2000x64xf32, #tpu.memory_space<vmem>>, vector<1x2000x64xf32>,
    %swap3A_26 = arith.constant 0 : index
    %swap3A_27 = arith.constant 0 : index
    %swap3A_28 = vector.load %arg5[%swap3A_26, %swap3A_27] : memref<2000x1xf32, #tpu.memory_space<vmem>>, vector<2000x1xf32>
    tpu.vector_store %arg5[%swap3A_26, %swap3A_27], %rsqrt3A {strides = array<i32>} : memref<2000x1xf32, #tpu.memory_space<vmem>>, vector<2000x1xf32>,
    return
  }
  func.func @transform_0(%arg0: i32) -> (i32, i32) {
    %c0_i32 = arith.constant 0 : i32
    %c0_i32_0 = arith.constant 0 : i32
    return %arg0, %c0_i32 : i32, i32
  }
  func.func @transform_1(%arg0: i32) -> (i32, i32) {
    %c0_i32 = arith.constant 0 : i32
    %c0_i32_0 = arith.constant 0 : i32
    %c0_i32_1 = arith.constant 0 : i32
    return %c0_i32, %c0_i32_0 : i32, i32
  }
  func.func @transform_2(%arg0: i32) -> (i32, i32, i32) {
    %c0_i32 = arith.constant 0 : i32
    %c0_i32_0 = arith.constant 0 : i32
    %c0_i32_1 = arith.constant 0 : i32
    return %c0_i32, %arg0, %c0_i32_0 : i32, i32, i32
  }
  func.func @transform_3(%arg0: i32) -> (i32, i32, i32) {
    %c0_i32 = arith.constant 0 : i32
    %c0_i32_0 = arith.constant 0 : i32
    %c0_i32_1 = arith.constant 0 : i32
    return %c0_i32, %arg0, %c0_i32_0 : i32, i32, i32
  }
  func.func @transform_4(%arg0: i32) -> (i32, i32) {
    %c0_i32 = arith.constant 0 : i32
    %c0_i32_0 = arith.constant 0 : i32
    return %arg0, %c0_i32 : i32, i32
  }
}

module attributes {stable_mosaic.version = 14 : i64} {
  func.func @_stage_d_body(%arg0: i32, %arg1: memref<2x2000x64xf32, #tpu.memory_space<vmem>>, %arg2: memref<2x2000x64xf32, #tpu.memory_space<vmem>>, %arg3: memref<2000x1xf32, #tpu.memory_space<vmem>>, %arg4: memref<1x128xf32, #tpu.memory_space<vmem>>, %arg5: memref<128x48xf32, #tpu.memory_space<vmem>>, %arg6: memref<2000x48xf32, #tpu.memory_space<vmem>>) attributes {dimension_semantics = [#tpu.dimension_semantics<arbitrary>], iteration_bounds = array<i64: 5>, scalar_prefetch = 0 : i64, scratch_operands = 0 : i64, tpu.core_type = #tpu.core_type<tc>, window_params = [{transform_indices = @transform_0, window_bounds = array<i64: 2, 2000, 64>}, {transform_indices = @transform_1, window_bounds = array<i64: 2, 2000, 64>}, {transform_indices = @transform_2, window_bounds = array<i64: 2000, 1>}, {pipeline_mode = #tpu.pipeline_mode<synchronous>, transform_indices = @transform_3, window_bounds = array<i64: 1, 128>}, {pipeline_mode = #tpu.pipeline_mode<synchronous>, transform_indices = @transform_4, window_bounds = array<i64: 128, 48>}, {transform_indices = @transform_5, window_bounds = array<i64: 2000, 48>}]} {
    %get3A = arith.constant 0 : index
    %get3A_0 = arith.constant 0 : index
    %get3A_1 = arith.constant 0 : index
    %get3A_2 = vector.load %arg1[%get3A, %get3A_0, %get3A_1] : memref<2x2000x64xf32, #tpu.memory_space<vmem>>, vector<1x2000x64xf32>
    %get3A_3 = vector.shape_cast %get3A_2 : vector<1x2000x64xf32> to vector<2000x64xf32>
    %get3A_4 = arith.constant 0 : index
    %get3A_5 = arith.constant 0 : index
    %get3A_6 = arith.constant 0 : index
    %get3A_7 = vector.load %arg2[%get3A_4, %get3A_5, %get3A_6] : memref<2x2000x64xf32, #tpu.memory_space<vmem>>, vector<1x2000x64xf32>
    %get3A_8 = vector.shape_cast %get3A_7 : vector<1x2000x64xf32> to vector<2000x64xf32>
    %add3A = arith.addf %get3A_3, %get3A_8 : vector<2000x64xf32>
    %get3A_9 = arith.constant 1 : index
    %get3A_10 = arith.constant 0 : index
    %get3A_11 = arith.constant 0 : index
    %get3A_12 = vector.load %arg1[%get3A_9, %get3A_10, %get3A_11] : memref<2x2000x64xf32, #tpu.memory_space<vmem>>, vector<1x2000x64xf32>
    %get3A_13 = vector.shape_cast %get3A_12 : vector<1x2000x64xf32> to vector<2000x64xf32>
    %get3A_14 = arith.constant 1 : index
    %get3A_15 = arith.constant 0 : index
    %get3A_16 = arith.constant 0 : index
    %get3A_17 = vector.load %arg2[%get3A_14, %get3A_15, %get3A_16] : memref<2x2000x64xf32, #tpu.memory_space<vmem>>, vector<1x2000x64xf32>
    %get3A_18 = vector.shape_cast %get3A_17 : vector<1x2000x64xf32> to vector<2000x64xf32>
    %add3A_19 = arith.addf %get3A_13, %get3A_18 : vector<2000x64xf32>
    %concatenate3A = tpu.concatenate %add3A, %add3A_19 in 1 : vector<2000x64xf32>, vector<2000x64xf32> -> vector<2000x128xf32>
    %get3A_20 = arith.constant 0 : index
    %get3A_21 = arith.constant 0 : index
    %get3A_22 = vector.load %arg3[%get3A_20, %get3A_21] : memref<2000x1xf32, #tpu.memory_space<vmem>>, vector<2000x1xf32>
    %mul3A = vector.broadcast %get3A_22 : vector<2000x1xf32> to vector<2000x128xf32>
    %mul3A_23 = arith.mulf %concatenate3A, %mul3A : vector<2000x128xf32>
    %get3A_24 = arith.constant 0 : index
    %get3A_25 = arith.constant 0 : index
    %get3A_26 = vector.load %arg4[%get3A_24, %get3A_25] : memref<1x128xf32, #tpu.memory_space<vmem>>, vector<1x128xf32>
    %add3A_27 = vector.broadcast %get3A_26 : vector<1x128xf32> to vector<2000x128xf32>
    %add3A_28 = arith.addf %mul3A_23, %add3A_27 : vector<2000x128xf32>
    %max3A = arith.constant 0.000000e+00 : f32
    %max3A_29 = vector.broadcast %max3A : f32 to vector<2000x128xf32>
    %max3A_30 = arith.maximumf %add3A_28, %max3A_29 : vector<2000x128xf32>
    %get3A_31 = arith.constant 0 : index
    %get3A_32 = arith.constant 0 : index
    %get3A_33 = vector.load %arg5[%get3A_31, %get3A_32] : memref<128x48xf32, #tpu.memory_space<vmem>>, vector<128x48xf32>
    %dot_general3A = arith.constant dense<0.000000e+00> : vector<2000x48xf32>
    %dot_general3A_34 = tpu.matmul %max3A_30, %get3A_33, %dot_general3A {dimension_numbers = #tpu.dot_dimension_numbers<[1], [0], [0], [1], [0, 0, 1, 1], [], []>, transpose_lhs_hint = false} : vector<2000x128xf32>, vector<128x48xf32>, vector<2000x48xf32> -> vector<2000x48xf32>
    %get3A_35 = arith.constant 0 : index
    %get3A_36 = arith.constant 0 : index
    %get3A_37 = vector.load %arg3[%get3A_35, %get3A_36] : memref<2000x1xf32, #tpu.memory_space<vmem>>, vector<2000x1xf32>
    %mul3A_38 = vector.broadcast %get3A_37 : vector<2000x1xf32> to vector<2000x48xf32>
    %mul3A_39 = arith.mulf %dot_general3A_34, %mul3A_38 : vector<2000x48xf32>
    %swap3A = arith.constant 0 : index
    %swap3A_40 = arith.constant 0 : index
    %swap3A_41 = vector.load %arg6[%swap3A, %swap3A_40] : memref<2000x48xf32, #tpu.memory_space<vmem>>, vector<2000x48xf32>
    tpu.vector_store %arg6[%swap3A, %swap3A_40], %mul3A_39 {strides = array<i32>} : memref<2000x48xf32, #tpu.memory_space<vmem>>, vector<2000x48xf32>,
    return
  }
  func.func @transform_0(%arg0: i32) -> (i32, i32, i32) {
    %c0_i32 = arith.constant 0 : i32
    %c0_i32_0 = arith.constant 0 : i32
    %c0_i32_1 = arith.constant 0 : i32
    return %c0_i32, %arg0, %c0_i32_0 : i32, i32, i32
  }
  func.func @transform_1(%arg0: i32) -> (i32, i32, i32) {
    %c0_i32 = arith.constant 0 : i32
    %c0_i32_0 = arith.constant 0 : i32
    %c0_i32_1 = arith.constant 0 : i32
    return %c0_i32, %arg0, %c0_i32_0 : i32, i32, i32
  }
  func.func @transform_2(%arg0: i32) -> (i32, i32) {
    %c0_i32 = arith.constant 0 : i32
    %c0_i32_0 = arith.constant 0 : i32
    return %arg0, %c0_i32 : i32, i32
  }
  func.func @transform_3(%arg0: i32) -> (i32, i32) {
    %c0_i32 = arith.constant 0 : i32
    %c0_i32_0 = arith.constant 0 : i32
    %c0_i32_1 = arith.constant 0 : i32
    return %c0_i32, %c0_i32_0 : i32, i32
  }
  func.func @transform_4(%arg0: i32) -> (i32, i32) {
    %c0_i32 = arith.constant 0 : i32
    %c0_i32_0 = arith.constant 0 : i32
    %c0_i32_1 = arith.constant 0 : i32
    return %c0_i32, %c0_i32_0 : i32, i32
  }
  func.func @transform_5(%arg0: i32) -> (i32, i32) {
    %c0_i32 = arith.constant 0 : i32
    %c0_i32_0 = arith.constant 0 : i32
    return %arg0, %c0_i32 : i32, i32
  }
}

module attributes {stable_mosaic.version = 14 : i64} {
  func.func @_stage_f_body(%arg0: i32, %arg1: memref<2x2000x48xf32, #tpu.memory_space<vmem>>, %arg2: memref<2000x48xf32, #tpu.memory_space<vmem>>, %arg3: memref<2000x1xf32, #tpu.memory_space<vmem>>, %arg4: memref<1x48xf32, #tpu.memory_space<vmem>>, %arg5: memref<2000x40xf32, #tpu.memory_space<vmem>>) attributes {dimension_semantics = [#tpu.dimension_semantics<arbitrary>], iteration_bounds = array<i64: 5>, scalar_prefetch = 0 : i64, scratch_operands = 0 : i64, tpu.core_type = #tpu.core_type<tc>, window_params = [{transform_indices = @transform_0, window_bounds = array<i64: 2, 2000, 48>}, {transform_indices = @transform_1, window_bounds = array<i64: 2000, 48>}, {transform_indices = @transform_2, window_bounds = array<i64: 2000, 1>}, {pipeline_mode = #tpu.pipeline_mode<synchronous>, transform_indices = @transform_3, window_bounds = array<i64: 1, 48>}, {transform_indices = @transform_4, window_bounds = array<i64: 2000, 40>}]} {
    %get3A = arith.constant 0 : index
    %get3A_0 = arith.constant 0 : index
    %get3A_1 = arith.constant 0 : index
    %get3A_2 = vector.load %arg1[%get3A, %get3A_0, %get3A_1] : memref<2x2000x48xf32, #tpu.memory_space<vmem>>, vector<1x2000x48xf32>
    %get3A_3 = vector.shape_cast %get3A_2 : vector<1x2000x48xf32> to vector<2000x48xf32>
    %get3A_4 = arith.constant 1 : index
    %get3A_5 = arith.constant 0 : index
    %get3A_6 = arith.constant 0 : index
    %get3A_7 = vector.load %arg1[%get3A_4, %get3A_5, %get3A_6] : memref<2x2000x48xf32, #tpu.memory_space<vmem>>, vector<1x2000x48xf32>
    %get3A_8 = vector.shape_cast %get3A_7 : vector<1x2000x48xf32> to vector<2000x48xf32>
    %add3A = arith.addf %get3A_3, %get3A_8 : vector<2000x48xf32>
    %get3A_9 = arith.constant 0 : index
    %get3A_10 = arith.constant 0 : index
    %get3A_11 = vector.load %arg2[%get3A_9, %get3A_10] : memref<2000x48xf32, #tpu.memory_space<vmem>>, vector<2000x48xf32>
    %add3A_12 = arith.addf %add3A, %get3A_11 : vector<2000x48xf32>
    %get3A_13 = arith.constant 0 : index
    %get3A_14 = arith.constant 0 : index
    %get3A_15 = vector.load %arg3[%get3A_13, %get3A_14] : memref<2000x1xf32, #tpu.memory_space<vmem>>, vector<2000x1xf32>
    %mul3A = vector.broadcast %get3A_15 : vector<2000x1xf32> to vector<2000x48xf32>
    %mul3A_16 = arith.mulf %add3A_12, %mul3A : vector<2000x48xf32>
    %get3A_17 = arith.constant 0 : index
    %get3A_18 = arith.constant 0 : index
    %get3A_19 = vector.load %arg4[%get3A_17, %get3A_18] : memref<1x48xf32, #tpu.memory_space<vmem>>, vector<1x48xf32>
    %add3A_20 = vector.broadcast %get3A_19 : vector<1x48xf32> to vector<2000x48xf32>
    %add3A_21 = arith.addf %mul3A_16, %add3A_20 : vector<2000x48xf32>
    %iota3A = tpu.iota {dimensions = array<i32: 1>} : vector<2000x48xi32>
    %lt3A = arith.constant 40 : i32
    %lt3A_22 = vector.broadcast %lt3A : i32 to vector<2000x48xi32>
    %lt3A_23 = arith.cmpi slt, %iota3A, %lt3A_22 : vector<2000x48xi32>
    %jit3A = arith.constant 0xFF800000 : f32
    %broadcast_in_dim3A = vector.broadcast %jit3A : f32 to vector<2000x48xf32>
    %select_n3A = arith.select %lt3A_23, %add3A_21, %broadcast_in_dim3A : vector<2000x48xi1>, vector<2000x48xf32>
    %reduce_max3A = arith.constant dense<0xFF800000> : vector<2000xf32>
    %reduce_max3A_24 = vector.multi_reduction <maximumf>, %select_n3A, %reduce_max3A [1] : vector<2000x48xf32> to vector<2000xf32>
    %broadcast_in_dim3A_25 = vector.shape_cast %reduce_max3A_24 : vector<2000xf32> to vector<2000x1xf32>
    %sub3A = vector.broadcast %broadcast_in_dim3A_25 : vector<2000x1xf32> to vector<2000x48xf32>
    %sub3A_26 = arith.subf %add3A_21, %sub3A : vector<2000x48xf32>
    %exp3A = math.exp %sub3A_26 : vector<2000x48xf32>
    %jit3A_27 = arith.constant 0.000000e+00 : f32
    %broadcast_in_dim3A_28 = vector.broadcast %jit3A_27 : f32 to vector<2000x48xf32>
    %select_n3A_29 = arith.select %lt3A_23, %exp3A, %broadcast_in_dim3A_28 : vector<2000x48xi1>, vector<2000x48xf32>
    %reduce_sum3A = arith.constant dense<0.000000e+00> : vector<2000xf32>
    %reduce_sum3A_30 = vector.multi_reduction <add>, %select_n3A_29, %reduce_sum3A [1] : vector<2000x48xf32> to vector<2000xf32>
    %broadcast_in_dim3A_31 = vector.shape_cast %reduce_sum3A_30 : vector<2000xf32> to vector<2000x1xf32>
    %log3A = math.log %broadcast_in_dim3A_31 : vector<2000x1xf32>
    %add3A_32 = arith.addf %log3A, %broadcast_in_dim3A_25 : vector<2000x1xf32>
    %sub3A_33 = vector.broadcast %add3A_32 : vector<2000x1xf32> to vector<2000x48xf32>
    %sub3A_34 = arith.subf %add3A_21, %sub3A_33 : vector<2000x48xf32>
    %slice3A = vector.extract_strided_slice %sub3A_34 {offsets = [0, 0], sizes = [2000, 40], strides = [1, 1]} : vector<2000x48xf32> to vector<2000x40xf32>
    %swap3A = arith.constant 0 : index
    %swap3A_35 = arith.constant 0 : index
    %swap3A_36 = vector.load %arg5[%swap3A, %swap3A_35] : memref<2000x40xf32, #tpu.memory_space<vmem>>, vector<2000x40xf32>
    tpu.vector_store %arg5[%swap3A, %swap3A_35], %slice3A {strides = array<i32>} : memref<2000x40xf32, #tpu.memory_space<vmem>>, vector<2000x40xf32>,
    return
  }
  func.func @transform_0(%arg0: i32) -> (i32, i32, i32) {
    %c0_i32 = arith.constant 0 : i32
    %c0_i32_0 = arith.constant 0 : i32
    %c0_i32_1 = arith.constant 0 : i32
    return %c0_i32, %arg0, %c0_i32_0 : i32, i32, i32
  }
  func.func @transform_1(%arg0: i32) -> (i32, i32) {
    %c0_i32 = arith.constant 0 : i32
    %c0_i32_0 = arith.constant 0 : i32
    return %arg0, %c0_i32 : i32, i32
  }
  func.func @transform_2(%arg0: i32) -> (i32, i32) {
    %c0_i32 = arith.constant 0 : i32
    %c0_i32_0 = arith.constant 0 : i32
    return %arg0, %c0_i32 : i32, i32
  }
  func.func @transform_3(%arg0: i32) -> (i32, i32) {
    %c0_i32 = arith.constant 0 : i32
    %c0_i32_0 = arith.constant 0 : i32
    %c0_i32_1 = arith.constant 0 : i32
    return %c0_i32, %c0_i32_0 : i32, i32
  }
  func.func @transform_4(%arg0: i32) -> (i32, i32) {
    %c0_i32 = arith.constant 0 : i32
    %c0_i32_0 = arith.constant 0 : i32
    return %arg0, %c0_i32 : i32, i32
  }
}

</mosaic_0001>

<sc_bundles>
// kernel: kernel.11.cloned.1.call-start
scs
__scs_entry_jumppad:
0x0: {  	(pc) =	sbr.rel $0x88, $3  }
0x1: {  	(tag) =	ssettag $0x0;
	lr =	simm.s32 $0x1  }
0x2: {  	[smem:$0x3F9B] =	sst lr;
	_ =	strace $0xD0000000  }
0x3: {  	_ = 	snop  }
0x4: {  	_ = 	snop  }
0x5: {  	_ = 	snop  }
0x6: {  	_ = 	snop  }
0x7: {  	_ = 	snop  }
__scs_overlays_trampoline_lowered:
0x8: {  	[smem:$0x3FAA] =	sst s0  }
0x9: {  	[smem:$0x3FAB] =	sst s1  }
0xa: {  	[smem:$0x3FAC] =	sst s2  }
0xb: {  	[smem:$0x3FAD] =	sst s3  }
0xc: {  	[smem:$0x3FAE] =	sst s4  }
0xd: {  	[smem:$0x3FAF] =	sst s5  }
0xe: {  	[smem:$0x3FB0] =	sst s6  }
0xf: {  	[smem:$0x3FB1] =	sst s7  }
0x10: {  	[smem:$0x3FB2] =	sst s8  }
0x11: {  	[smem:$0x3FB3] =	sst s9;
	s0 =	simm.s32 @!p0 $0x0  }
0x12: {  	s1 =	sld [smem:$0x3F99];
	s0 =	simm.s32 @p0 $0x1  }
0x13: {  	[smem:$0x3FB4] =	sst s0;
	s0 =	simm.s32 @!p1 $0x0  }
0x14: {  	s2 =	sld [smem:$0x3F98];
	s0 =	simm.s32 @p1 $0x1  }
0x15: {  	[smem:$0x3FB5] =	sst s0;
	s0 =	simm.s32 @!p2 $0x0  }
0x16: {  	s3 =	sld [smem:$0x3FDB];
	s0 =	simm.s32 @p2 $0x1  }
0x17: {  	s4 =	simm.s32 $0x1BF5;
	[smem:$0x3FB7] =	sst s0  }
0x18: {  	s0 =	sld [smem:$0x3F9A];
	_ =	swait.ge [sflag:s4], $0x0  }
0x19: {  	s7 =	sld [smem:$0x3F9B]  }
0x1a: {  	s8 =	sadd.s32 $0xFFFFE003, lr  }
0x1b: {  	s9 =	sadd.s32 $0xFFFFFEF7, lr;
	s5 =	simm.s32 $0xFFFFFFFF;
	p2 =	slt.u32 s8, $0xFFFFF086  }
0x1c: {  	p1 =	slt.u32 s9, $0xF7A;
	s5 =	simm.s32 @!p2 $0x0  }
0x1d: {  	s5 =	simm.s32 @p1 $0x1;
	p0 =	seq.s32 s7, s2  }
0x1e: {  	s7 =	smul.u32 @!p0 $0xF7A, s2;
	p2 =	seq.s32 @!p0 s5, $0x0  }
0x1f: {  	s9 =	smul.u32 $0xF7A, s1;
	s8 =	simm.s32 @!p0 $0x1BF5;
	p2 =	por !p2, p0  }
0x20: {  	[sflag:s8] =	ssyncset.s32 @!p0 $0xFFFFF086;
	s6 =	sadd.s32 @!p0 s3, s7;
	s7 =	simm.s32 @!p0 $0x108  }
0x21: {  	s3 =	sadd.s32 s3, s9;
	s6 =	sadd.s32 @!p0 $0x88, s6;
	s7 =	simm.s32 @p2 $0x1082  }
0x22: {  	[simem:s7], [sflag:s8] =	dma.local @!p0 [hbm:s6], $0xF7A  }
0x23: {  	s9 =	sor.u32 $0xD0000000, s2;
	s6 =	simm.s32 $0x108;
	_ =	swait.ge @!p0 [sflag:s8], $0x0  }
0x24: {  	s3 =	sadd.s32 $0x88, s3;
	s6 =	simm.s32 @!p1 $0x1082;
	[sflag:s4] =	ssyncset.s32 $0xFFFFF086  }
0x25: {  	[simem:s6], [sflag:s4] =	dma.local [hbm:s3], $0xF7A  }
0x26: {  	[smem:$0x3F9B] =	sst s1;
	(tag) =	ssettag s2;
	_ =	strace s9  }
0x27: {  	s1 =	sld [smem:$0x3FAB]  }
0x28: {  	s2 =	sld [smem:$0x3FAC]  }
0x29: {  	s4 =	sld [smem:$0x3FAE]  }
0x2a: {  	p0 =	seq.s32 s5, $0x0;
	s5 =	sld [smem:$0x3FAF]  }
0x2b: {  	s6 =	sld [smem:$0x3FB0]  }
0x2c: {  	s7 =	sld [smem:$0x3FB1]  }
0x2d: {  	s3 =	simm.s32 $0x108;
	s8 =	sld [smem:$0x3FB2]  }
0x2e: {  	s3 =	simm.s32 @!p0 $0x1082;
	s9 =	sld [smem:$0x3FB3]  }
0x2f: {  	lr =	sadd.s32 s0, s3;
	s0 =	sld [smem:$0x3FAA]  }
0x30: {  	s3 =	sld [smem:$0x3FAD]  }
0x31: {  	[smem:$0x3FB6] =	sst s10  }
0x32: {  	s10 =	sld [smem:$0x3FB4];
	_ =	sdelay $0x3  }
0x33: {  	p0 =	seq.s32 s10, $0x1;
	s10 =	sld [smem:$0x3FB6];
	_ =	sdelay $0x3  }
0x34: {  	[smem:$0x3FB6] =	sst s10  }
0x35: {  	s10 =	sld [smem:$0x3FB5];
	_ =	sdelay $0x3  }
0x36: {  	p1 =	seq.s32 s10, $0x1;
	s10 =	sld [smem:$0x3FB6];
	_ =	sdelay $0x3  }
0x37: {  	[smem:$0x3FB6] =	sst s10  }
0x38: {  	s10 =	sld [smem:$0x3FB7]  }
0x39: {  	_ = 	snop;
	(pc) =	sbr.ind lr, $3  }
0x3a: {  	_ = 	snop  }
0x3b: {  	_ = 	snop  }
0x3c: {  	p2 =	seq.s32 s10, $0x1;
	s10 =	sld [smem:$0x3FB6]  }
0x3d: {  	_ =	shalt  }
0x3e: {  	_ =	shalt  }
0x3f: {  	_ =	shalt  }
0x40: {  	_ =	shalt  }
0x41: {  	_ =	shalt  }
0x42: {  	_ =	shalt  }
0x43: {  	_ =	shalt  }
0x44: {  	_ =	shalt  }
0x45: {  	_ =	shalt  }
0x46: {  	_ =	shalt  }
0x47: {  	_ =	shalt  }
0x48: {  	_ =	shalt  }
0x49: {  	_ =	shalt  }
0x4a: {  	_ =	shalt  }
0x4b: {  	_ =	shalt  }
0x4c: {  	_ =	shalt  }
0x4d: {  	_ =	shalt  }
0x4e: {  	_ =	shalt  }
0x4f: {  	_ =	shalt  }
0x50: {  	_ =	shalt  }
0x51: {  	_ =	shalt  }
0x52: {  	_ =	shalt  }
0x53: {  	_ =	shalt  }
0x54: {  	_ =	shalt  }
0x55: {  	_ =	shalt  }
0x56: {  	_ =	shalt  }
0x57: {  	_ =	shalt  }
0x58: {  	_ =	shalt  }
0x59: {  	_ =	shalt  }
0x5a: {  	_ =	shalt  }
0x5b: {  	_ =	shalt  }
0x5c: {  	_ =	shalt  }
0x5d: {  	_ =	shalt  }
0x5e: {  	_ =	shalt  }
0x5f: {  	_ =	shalt  }
0x60: {  	_ =	shalt  }
0x61: {  	_ =	shalt  }
0x62: {  	_ =	shalt  }
0x63: {  	_ =	shalt  }
0x64: {  	_ =	shalt  }
0x65: {  	_ =	shalt  }
0x66: {  	_ =	shalt  }
0x67: {  	_ =	shalt  }
0x68: {  	_ =	shalt  }
0x69: {  	_ =	shalt  }
0x6a: {  	_ =	shalt  }
0x6b: {  	_ =	shalt  }
0x6c: {  	_ =	shalt  }
0x6d: {  	_ =	shalt  }
0x6e: {  	_ =	shalt  }
0x6f: {  	_ =	shalt  }
0x70: {  	_ =	shalt  }
0x71: {  	_ =	shalt  }
0x72: {  	_ =	shalt  }
0x73: {  	_ =	shalt  }
0x74: {  	_ =	shalt  }
0x75: {  	_ =	shalt  }
0x76: {  	_ =	shalt  }
0x77: {  	_ =	shalt  }
0x78: {  	_ =	shalt  }
0x79: {  	_ =	shalt  }
0x7a: {  	_ =	shalt  }
0x7b: {  	_ =	shalt  }
0x7c: {  	_ =	shalt  }
0x7d: {  	_ =	shalt  }
0x7e: {  	_ =	shalt  }
0x7f: {  	_ =	shalt  }
0x80: {  	_ =	shalt  }
0x81: {  	_ =	shalt  }
0x82: {  	_ =	shalt  }
0x83: {  	_ =	shalt  }
0x84: {  	_ =	shalt  }
0x85: {  	_ =	shalt  }
0x86: {  	_ =	shalt  }
0x87: {  	_ =	shalt  }
.Lfunc_end0:
.L_simem_size_0:
called_computation.1_lowered:
.L_overlay_start_0:
0x88: {  	s2 =	sld [smem:$0x3FD9]  }
0x89: {  	s3 =	sld [smem:$0x3FFE];
	_ =	sdelay $0x1  }
0x8a: {  	s1 =	srdreg.scid  }
0x8b: {  	s0 =	sand.u32 $0x1, s1  }
0x8c: {  	s16 =	sshll.u32 s0, $0xA;
	s2 =	sadd.s32 s3, s2  }
0x8d: {  	s2 =	sadd.s32 s2, s16  }
0x8e: {  	[smem:$0x3FC2] =	sst s2  }
0x8f: {  	_ = 	snop  }
0x90: {  	(tm) =	ssettm $0x1  }
0x91: {  	s17 =	sld [smem:$0x3FFB];
	_ =	sdelay $0x3  }
0x92: {  	_ =	strace s17  }
0x93: {  	s2 =	sld [smem:$0x3FFC];
	_ =	sdelay $0x3  }
0x94: {  	_ =	strace s2  }
0x95: {  	s2 =	sld [smem:$0x3FFD];
	_ =	sdelay $0x3  }
0x96: {  	_ =	strace s2  }
0x97: {  	_ =	strace $0x8FFFFFFF  }
0x98: {  	s18 =	sld [smem:$0x3FDB];
	_ =	sdelay $0x1  }
0x99: {  	s19 =	simm.s32 $_scs_section_size  }
0x9a: {  	s4 =	simm.s32 $_size__tile_overlayer_lowered;
	s5 =	simm.s32 $_tile_overlayer_lowered  }
0x9b: {  	s22 =	simm.s32 $0x1BFF;
	s21 =	sshll.u32 s5, $0x1;
	s2 =	sadd.s32 s19, s18  }
0x9c: {  	s6 =	simm.s32 $0x0;
	s20 =	sshll.u32 s4, $0x1;
	s4 =	sadd.s32 s21, s2  }
0x9d: {  	[timem:s6], [sflag:s22] =	dma.local [hbm:s4], s20  }
0x9e: {  	_ =	swait.ge [sflag:s22], s20  }
0x9f: {  	s3 =	ssub.s32 $0x0, s20;
	[sflag:s22] =	ssyncset.done $0x0  }
0xa0: {  	[sflag:s22] =	ssyncadd.s32 s3;
	_ =	sdelay $0x1  }
0xa1: {  	s23 =	simm.s32 $0x1B8B  }
0xa2: {  	_ =	swait.ge [sflag:s23], $0x1  }
0xa3: {  	[sflag:s23] =	ssyncset.done $0x0  }
0xa4: {  	s25 =	simm.s32 $0x1B8E;
	s24 =	sld [smem:$0x3FFE];
	[sflag:s23] =	ssyncadd.s32 $0xFFFFFFFF  }
0xa5: {  	s26 =	simm.s32 $execute0_lowered;
	[smem:$0x3FD2] =	sst s25  }
0xa6: {  	s4 =	sshll.u32 s26, $0x1;
	_ =	strace $0x80000049;
	[dreg:$0x1] =	wrdreg $0xFFFFFFFF  }
0xa7: {  	s28 =	simm.s32 $_size_execute0_lowered;
	s2 =	sadd.s32 s2, s4;
	[dreg:$0x0] =	wrdreg $0x0  }
0xa8: {  	s4 =	sshll.u32 s28, $0x1;
	[dreg:$0x2] =	wrdreg s2  }
0xa9: {  	[dreg:$0x3] =	wrdreg s4  }
0xaa: {  	[dreg:$0x4] =	wrdreg $0xC0  }
0xab: {  	_ =	task [dreg:s6], $0x5FFFF  }
0xac: {  	[dreg:$0x1] =	wrdreg $0xFFFFFFFF  }
0xad: {  	[dreg:$0x0] =	wrdreg $0x60  }
0xae: {  	[dreg:$0x2] =	wrdreg s24  }
0xaf: {  	[dreg:$0x3] =	wrdreg $0x110800  }
0xb0: {  	[dreg:$0x4] =	wrdreg $0x9  }
0xb1: {  	_ =	task.clear_ibuf [dreg:s6], $0x5FFFF;
	_ =	strace $0x90000049  }
0xb2: {  	s29 =	simm.s32 $0x9;
	_ =	strace $0x8000004B  }
0xb3: {  	_ =	swait.ge [sflag:s29], $0x1  }
0xb4: {  	[sflag:s29] =	ssyncadd.s32 $0xFFFFFFFF  }
0xb5: {  	_ =	strace $0x9000004B  }
0xb6: {  	_ =	sfence  }
0xb7: {  	s30 =	sld [smem:$0x0];
	_ =	sdelay $0x2  }
0xb8: {  	s31 =	sshll.u32 s1, $0xD;
	s1 =	sshrl.u32 s1, $0x2  }
0xb9: {  	s3 =	sand.u32 $0x4000, s31;
	s1 =	sadd.s32 s1, s30  }
0xba: {  	s0 =	sor.u32 s3, s0;
	s1 =	sshll.u32 s1, $0x11  }
0xbb: {  	s0 =	sor.u32 s1, s0  }
0xbc: {  	s0 =	sadd.s32 $0x8F2B, s0  }
0xbd: {  	[sflag:s0] =	ssyncadd.remote.s32 $0x1  }
0xbe: {  	_ =	sfence.sel $0xFFFF  }
0xbf: {  	[dreg:$0x0] =	wrdreg $0xFFFFFFFF;
	(pc) =	sbr.abs _section_cstart, $3  }
0xc0: {  	[dreg:$0x1] =	wrdreg $0xFFFFFFFF  }
0xc1: {  	_ =	task.clear_ibuf [dreg:s6], $0x2FFFF;
	_ =	strace $0x9FFFFFFF  }
0xc2: {  	(tm) =	ssettm $0x7FFFFFFF  }
0xc3: {  	_ =	shalt  }
tec
execute0_lowered:
.L_overlay_start_1:
0x0: {  	(tag) =	ssettag $0x1  }
0x1: {  	s4 =	rddreg [dreg:$0x0]  }
0x2: {  	s0 =	stileid.u32;
	s1 =	srdreg.scid  }
0x3: {  	s2 =	rddreg [dreg:$0x1];
	s3 =	simm.s32 $0x0;
	s15 =	simm.s32 $0x5000  }
0x4: {  	s16 =	simm.s32 $0x7D;
	s17 =	simm.s32 $0xA000;
	s18 =	simm.s32 $0xBF40  }
0x5: {  	s19 =	simm.s32 $0x1;
	s20 =	simm.s32 $0x2;
	s21 =	simm.s32 $0x4F80  }
0x6: {  	s22 =	simm.s32 $0x9F00;
	s23 =	simm.s32 $0x9F80;
	s5 =	smul.u32 $0x5000, s0  }
0x7: {  	s6 =	sand.u32 $0x1, s1;
	s1 =	rddreg [dreg:$0x2];
	s13 =	smul.u32 $0xFA00, s0  }
0x8: {  	s25 =	simm.s32 $0x0;
	[smem:$0x7FF] =	sst s3;
	s9 =	smul.u32 $0x3E800, s0  }
0x9: {  	p0 =	sgt.u32 s0, $0x9;
	s7 =	smul.u32 $0x9C400, s6;
	s6 =	ssub.s32 $0x2, s6  }
0xa: {  	_ =	strace $0x8000004A;
	s5 =	sshrl.u32 s5, $0x3;
	s30 =	sshrl.u32 s6, $0x1  }
0xb: {  	s31 =	sshrl.u32 s9, $0x2;
	s24 =	sadd.s32 s13, s2;
	s5 =	sadd.s32 s5, s4  }
0xc: {  	s8 =	sshrl.u32 s7, $0x3;
	s7 =	sadd.s32 s13, s7;
	s14 =	ssub.s32 s6, s30  }
0xd: {  	s6 =	sadd.s32 s31, s2;
	s24 =	sshrl.u32 @!p0 s24, $0x3;
	s11 =	sadd.s32 s8, s4  }
0xe: {  	s7 =	sshrl.u32 s7, $0x3;
	s8 =	sadd.s32 $0x6400, s6;
	s9 =	sadd.s32 $0x9600, s6  }
0xf: {  	s10 =	sadd.s32 $0xC800, s6;
	s13 =	smax.u32 s14, $0x1;
	s14 =	simm.s32 $0x3  }
0x10: {  	s12 =	sadd.s32 s7, s4;
	s4 =	sadd.s32 $0x16600, s5;
	s5 =	sadd.s32 $0x20600, s5  }
0x11: {  	v0 =	vimm.f32 $0.0e+00;
	s7 =	sadd.s32 $0x3200, s6;
	s11 =	sadd.s32 $0x9FA00, s11;
	s12 =	sadd.s32 $0xC6C00, s12  }
.LBB2_1:
0x12: {  	[tilespmem:s3], [sflag:$0x3] =	stream.linear.gather [hbm4b:s4+s3], $0x5000, $0x38;
	[tilespmem:$0x1ACC0] =	vst v63  }
0x13: {  	_ =	swait.ge [sflag:s14], $0x5000  }
0x14: {  	[sflag:s14] =	ssyncset.done $0x0  }
0x15: {  	[sflag:s14] =	ssyncadd.s32 $0xFFFFB000  }
0x16: {  	[tilespmem:s15], [sflag:$0x3] =	stream.linear.gather [hbm4b:s5+s3], $0x5000, $0x38;
	[tilespmem:$0x1ACC0] =	vst v63  }
0x17: {  	_ =	swait.ge [sflag:s14], $0x5000  }
0x18: {  	[sflag:s14] =	ssyncset.done $0x0  }
0x19: {  	s28 =	simm.s32 $0x100;
	s26 =	simm.s32 $0x0;
	[sflag:s14] =	ssyncadd.s32 $0xFFFFB000  }
.LBB2_2:
0x1a: {  	p1 =	sne.s32 s28, $0xC700;
	[tilespmem:s26+$0xDEB0] =	vst v0;
	s29 =	smov.u32 s28;
	s28 =	sadd.s32 $0x100, s28  }
.Ltmp0:
0x1b: {  	[tilespmem:s26+$0xDEA0] =	vst v0;
	(pc) =	sbr.rel @p1 .LBB2_2-.Ltmp0, $3  }
0x1c: {  	[tilespmem:s26+$0xDE80] =	vst v0  }
0x1d: {  	[tilespmem:s26+$0xDE90] =	vst v0;
	_ =	sdelay $0x1  }
0x1e: {  	s26 =	sshra.s32 s29, $0x2  }
0x1f: {  	[tilespmem:s26+$0xDEB0] =	vst v0  }
0x20: {  	[tilespmem:s26+$0xDEA0] =	vst v0  }
0x21: {  	[tilespmem:s26+$0xDE80] =	vst v0  }
0x22: {  	[tilespmem:s26+$0xDE90] =	vst v0;
	s26 =	simm.s32 @!p0 $0xDE80;
	s28 =	simm.s32 @!p0 $0x3  }
0x23: {  	[spmem:s6] =	stream.linear.scatter @!p0 [tilespmem:s26], [sflag:$0x3], $0x3200, $0x38;
	[tilespmem:$0x1ACC0] =	vst v63  }
0x24: {  	_ =	swait.ge @!p0 [sflag:s28], $0x3200  }
0x25: {  	[sflag:s28] =	ssyncset.done @!p0 $0x0  }
0x26: {  	[sflag:s28] =	ssyncadd.s32 @!p0 $0xFFFFCE00  }
0x27: {  	[spmem:s7] =	stream.linear.scatter @!p0 [tilespmem:s26], [sflag:$0x3], $0x3200, $0x38;
	[tilespmem:$0x1ACC0] =	vst v63  }
0x28: {  	_ =	swait.ge @!p0 [sflag:s28], $0x3200  }
0x29: {  	[sflag:s28] =	ssyncset.done @!p0 $0x0  }
0x2a: {  	[sflag:s28] =	ssyncadd.s32 @!p0 $0xFFFFCE00  }
0x2b: {  	[spmem:s8] =	stream.linear.scatter @!p0 [tilespmem:s26], [sflag:$0x3], $0x3200, $0x38;
	[tilespmem:$0x1ACC0] =	vst v63  }
0x2c: {  	_ =	swait.ge @!p0 [sflag:s28], $0x3200  }
0x2d: {  	[sflag:s28] =	ssyncset.done @!p0 $0x0  }
0x2e: {  	[sflag:s28] =	ssyncadd.s32 @!p0 $0xFFFFCE00  }
0x2f: {  	[spmem:s9] =	stream.linear.scatter @!p0 [tilespmem:s26], [sflag:$0x3], $0x3200, $0x38;
	[tilespmem:$0x1ACC0] =	vst v63  }
0x30: {  	_ =	swait.ge @!p0 [sflag:s28], $0x3200  }
0x31: {  	[sflag:s28] =	ssyncset.done @!p0 $0x0  }
0x32: {  	[sflag:s28] =	ssyncadd.s32 @!p0 $0xFFFFCE00  }
0x33: {  	[spmem:s10] =	stream.linear.scatter @!p0 [tilespmem:s26], [sflag:$0x3], $0x3200, $0x38;
	[tilespmem:$0x1ACC0] =	vst v63  }
0x34: {  	_ =	swait.ge @!p0 [sflag:s28], $0x3200  }
0x35: {  	[sflag:s28] =	ssyncset.done @!p0 $0x0  }
0x36: {  	[sflag:s28] =	ssyncadd.s32 @!p0 $0xFFFFCE00  }
0x37: {  	s30 =	simm.s32 $0x0;
	[bflag:$0x0] =	sbarrier.arrive $0xFFFF  }
0x38: {  	[tilespmem:s17], [sflag:$0x1] =	stream.indirect.gather [hbm4b:s11+s16], $0x40, s30, s16, $0xb8;
	[tilespmem:$0x1ACC0] =	vst v63  }
0x39: {  	s31 =	simm.s32 $0x80  }
0x3a: {  	[tilespmem:s18], [sflag:$0x2] =	stream.indirect.gather [hbm4b:s11+s16], $0x40, s31, s16, $0xb8;
	[tilespmem:$0x1ACC0] =	vst v63  }
0x3b: {  	_ =	swait.ge [sflag:s19], $0x1F40  }
0x3c: {  	[sflag:s19] =	ssyncset.done $0x0  }
0x3d: {  	s29 =	simm.s32 $0x5000;
	[sflag:s19] =	ssyncadd.s32 $0xFFFFE0C0  }
0x3e: {  	[spmem:s2] =	stream.indirect.scatter.add.f32 [tilespmem:s17], [sflag:$0x3], $0x40, s29, s16, $0xb8;
	[tilespmem:$0x1ACC0] =	vst v63  }
0x3f: {  	_ =	swait.ge [sflag:s14], $0x1F40  }
0x40: {  	[sflag:s14] =	ssyncset.done $0x0  }
0x41: {  	s30 =	simm.s32 $0x100;
	[sflag:s14] =	ssyncadd.s32 $0xFFFFE0C0  }
0x42: {  	[tilespmem:s17], [sflag:$0x1] =	stream.indirect.gather [hbm4b:s11+s16], $0x40, s30, s16, $0xb8;
	[tilespmem:$0x1ACC0] =	vst v63  }
0x43: {  	_ =	swait.ge [sflag:s20], $0x1F40  }
0x44: {  	[sflag:s20] =	ssyncset.done $0x0  }
0x45: {  	s31 =	simm.s32 $0x5080;
	[sflag:s20] =	ssyncadd.s32 $0xFFFFE0C0  }
0x46: {  	[spmem:s2] =	stream.indirect.scatter.add.f32 [tilespmem:s18], [sflag:$0x3], $0x40, s31, s16, $0xb8;
	[tilespmem:$0x1ACC0] =	vst v63  }
0x47: {  	_ =	swait.ge [sflag:s14], $0x1F40  }
0x48: {  	s26 =	simm.s32 $0x100;
	s28 =	simm.s32 $0x800;
	[sflag:s14] =	ssyncset.done $0x0  }
.LBB2_4:
0x49: {  	s29 =	sadd.s32 $0x80, s26  }
0x4a: {  	[sflag:s14] =	ssyncadd.s32 $0xFFFFE0C0;
	s30 =	smov.u32 s28;
	s31 =	sadd.s32 $0x400, s28  }
0x4b: {  	[tilespmem:s18], [sflag:$0x2] =	stream.indirect.gather [hbm4b:s11+s16], $0x40, s29, s16, $0xb8;
	[tilespmem:$0x1ACC0] =	vst v63  }
0x4c: {  	p1 =	sne.s32 s28, $0x13800;
	_ =	swait.ge [sflag:s19], $0x1F40  }
0x4d: {  	[sflag:s19] =	ssyncset.done $0x0  }
0x4e: {  	s28 =	sadd.s32 $0x5000, s26;
	[sflag:s19] =	ssyncadd.s32 $0xFFFFE0C0  }
0x4f: {  	[spmem:s2] =	stream.indirect.scatter.add.f32 [tilespmem:s17], [sflag:$0x3], $0x40, s28, s16, $0xb8;
	[tilespmem:$0x1ACC0] =	vst v63  }
0x50: {  	_ =	swait.ge [sflag:s14], $0x1F40  }
0x51: {  	[sflag:s14] =	ssyncset.done $0x0  }
0x52: {  	s28 =	sadd.s32 $0x100, s26;
	[sflag:s14] =	ssyncadd.s32 $0xFFFFE0C0  }
0x53: {  	[tilespmem:s17], [sflag:$0x1] =	stream.indirect.gather [hbm4b:s11+s16], $0x40, s28, s16, $0xb8;
	[tilespmem:$0x1ACC0] =	vst v63  }
0x54: {  	_ =	swait.ge [sflag:s20], $0x1F40  }
.Ltmp1:
0x55: {  	[sflag:s20] =	ssyncset.done $0x0;
	(pc) =	sbr.rel @p1 .LBB2_4-.Ltmp1, $4  }
0x56: {  	s26 =	sadd.s32 $0x5080, s26;
	[sflag:s20] =	ssyncadd.s32 $0xFFFFE0C0  }
0x57: {  	[spmem:s2] =	stream.indirect.scatter.add.f32 [tilespmem:s18], [sflag:$0x3], $0x40, s26, s16, $0xb8;
	[tilespmem:$0x1ACC0] =	vst v63  }
0x58: {  	_ =	swait.ge [sflag:s14], $0x1F40  }
0x59: {  	s28 =	smov.u32 s31;
	s26 =	sshra.s32 s30, $0x2;
	[sflag:s14] =	ssyncset.done $0x0  }
0x5a: {  	s28 =	sadd.s32 $0x80, s26;
	[sflag:s14] =	ssyncadd.s32 $0xFFFFE0C0  }
0x5b: {  	[tilespmem:s18], [sflag:$0x2] =	stream.indirect.gather [hbm4b:s11+s16], $0x40, s28, s16, $0xb8;
	[tilespmem:$0x1ACC0] =	vst v63  }
0x5c: {  	_ =	swait.ge [sflag:s19], $0x1F40  }
0x5d: {  	[sflag:s19] =	ssyncset.done $0x0  }
0x5e: {  	s29 =	sadd.s32 $0x5000, s26;
	[sflag:s19] =	ssyncadd.s32 $0xFFFFE0C0  }
0x5f: {  	[spmem:s2] =	stream.indirect.scatter.add.f32 [tilespmem:s17], [sflag:$0x3], $0x40, s29, s16, $0xb8;
	[tilespmem:$0x1ACC0] =	vst v63  }
0x60: {  	_ =	swait.ge [sflag:s14], $0x1F40  }
0x61: {  	[sflag:s14] =	ssyncset.done $0x0  }
0x62: {  	s30 =	sadd.s32 $0x100, s26;
	[sflag:s14] =	ssyncadd.s32 $0xFFFFE0C0  }
0x63: {  	[tilespmem:s17], [sflag:$0x1] =	stream.indirect.gather [hbm4b:s11+s16], $0x40, s30, s16, $0xb8;
	[tilespmem:$0x1ACC0] =	vst v63  }
0x64: {  	_ =	swait.ge [sflag:s20], $0x1F40  }
0x65: {  	[sflag:s20] =	ssyncset.done $0x0  }
0x66: {  	s31 =	sadd.s32 $0x5080, s26;
	[sflag:s20] =	ssyncadd.s32 $0xFFFFE0C0  }
0x67: {  	[spmem:s2] =	stream.indirect.scatter.add.f32 [tilespmem:s18], [sflag:$0x3], $0x40, s31, s16, $0xb8;
	[tilespmem:$0x1ACC0] =	vst v63  }
0x68: {  	_ =	swait.ge [sflag:s14], $0x1F40  }
0x69: {  	[sflag:s14] =	ssyncset.done $0x0  }
0x6a: {  	[sflag:s14] =	ssyncadd.s32 $0xFFFFE0C0  }
0x6b: {  	[tilespmem:s18], [sflag:$0x2] =	stream.indirect.gather [hbm4b:s11+s16], $0x40, s21, s16, $0xb8;
	[tilespmem:$0x1ACC0] =	vst v63  }
0x6c: {  	_ =	swait.ge [sflag:s19], $0x1F40  }
0x6d: {  	[sflag:s19] =	ssyncset.done $0x0  }
0x6e: {  	[sflag:s19] =	ssyncadd.s32 $0xFFFFE0C0  }
0x6f: {  	[spmem:s2] =	stream.indirect.scatter.add.f32 [tilespmem:s17], [sflag:$0x3], $0x40, s22, s16, $0xb8;
	[tilespmem:$0x1ACC0] =	vst v63  }
0x70: {  	_ =	swait.ge [sflag:s14], $0x1F40  }
0x71: {  	[sflag:s14] =	ssyncset.done $0x0  }
0x72: {  	[sflag:s14] =	ssyncadd.s32 $0xFFFFE0C0  }
0x73: {  	_ =	swait.ge [sflag:s20], $0x1F40  }
0x74: {  	[sflag:s20] =	ssyncset.done $0x0  }
0x75: {  	[sflag:s20] =	ssyncadd.s32 $0xFFFFE0C0  }
0x76: {  	[spmem:s2] =	stream.indirect.scatter.add.f32 [tilespmem:s18], [sflag:$0x3], $0x40, s23, s16, $0xb8;
	[tilespmem:$0x1ACC0] =	vst v63  }
0x77: {  	_ =	swait.ge [sflag:s14], $0x1F40  }
0x78: {  	[sflag:s14] =	ssyncset.done $0x0  }
0x79: {  	s26 =	sshll.u32 @!p0 s0, $0x6;
	s25 =	sadd.s32 $0x1, s25;
	[sflag:s14] =	ssyncadd.s32 $0xFFFFE0C0  }
0x7a: {  	s26 =	sor.u32 @!p0 $0x1C03, s26;
	p1 =	sne.s32 s25, s13;
	[bflag:$0x0] =	sbarrier.arrive $0xFFFF  }
0x7b: {  	[hbm:s12], [sflag:s26] =	dma.local @!p0 [spmem:s24], $0x1F40  }
.Ltmp2:
0x7c: {  	_ = 	snop;
	(pc) =	sbr.rel @p1 .LBB2_1-.Ltmp2, $4  }
0x7d: {  	s26 =	simm.s32 @!p0 $0x3  }
0x7e: {  	_ =	swait.ge @!p0 [sflag:s26], $0x1F40  }
0x7f: {  	[sflag:s26] =	ssyncset.done @!p0 $0x0  }
0x80: {  	[sflag:s26] =	ssyncadd.s32 @!p0 $0xFFFFE0C0  }
0x81: {  	_ =	sfence.sel $0x180000  }
0x82: {  	[bflag:$0x0] =	sbarrier.arrive $0xFFFF  }
0x83: {  	p0 =	sne.s32 s0, $0x0;
	_ =	strace $0x9000004A  }
0x84: {  	s0 =	sadd.s32 @!p0 $0x100000, s1;
	[bflag:$0x2] =	sbarrier.arrive $0xFFFF  }
0x85: {  	[sflag:s0] =	ssyncadd.tile.s32 @!p0 $0x1;
	_ =	shalt  }
.Lfunc_end2:
_tile_overlayer_lowered:
.L_overlay_start_2:
0x86: {  	(tag) =	ssettag $0x2  }
0x87: {  	s0 =	rddreg [dreg:$0x0];
	s2 =	stileid.u32  }
0x88: {  	s1 =	rddreg [dreg:$0x1];
	p0 =	sne.s32 s2, $0x0  }
0x89: {  	s3 =	rddreg [dreg:$0x2];
	[bflag:$0x3] =	sbarrier.arrive $0xFFFF;
	s2 =	simm.s32 @!p0 $0x1C03  }
0x8a: {  	[timem:s3], [sflag:s2] =	dma.local @!p0 [hbm:s0], s1  }
0x8b: {  	s0 =	simm.s32 @!p0 $0x3  }
0x8c: {  	_ =	swait.ge @!p0 [sflag:s0], s1  }
0x8d: {  	s1 =	ssub.s32 @!p0 $0x0, s1;
	[sflag:s0] =	ssyncset.done @!p0 $0x0  }
0x8e: {  	[sflag:s0] =	ssyncadd.s32 @!p0 s1  }
0x8f: {  	[bflag:$0x3] =	sbarrier.arrive $0xFFFF  }
0x90: {  	_ =	shalt  }

// kernel: kernel.14.cloned.1.call-start
scs
__scs_entry_jumppad:
0x0: {  	(pc) =	sbr.rel $0x88, $3  }
0x1: {  	(tag) =	ssettag $0x0;
	lr =	simm.s32 $0x1  }
0x2: {  	[smem:$0x3F9B] =	sst lr;
	_ =	strace $0xD0000000  }
0x3: {  	_ = 	snop  }
0x4: {  	_ = 	snop  }
0x5: {  	_ = 	snop  }
0x6: {  	_ = 	snop  }
0x7: {  	_ = 	snop  }
__scs_overlays_trampoline_lowered:
0x8: {  	[smem:$0x3FAA] =	sst s0  }
0x9: {  	[smem:$0x3FAB] =	sst s1  }
0xa: {  	[smem:$0x3FAC] =	sst s2  }
0xb: {  	[smem:$0x3FAD] =	sst s3  }
0xc: {  	[smem:$0x3FAE] =	sst s4  }
0xd: {  	[smem:$0x3FAF] =	sst s5  }
0xe: {  	[smem:$0x3FB0] =	sst s6  }
0xf: {  	[smem:$0x3FB1] =	sst s7  }
0x10: {  	[smem:$0x3FB2] =	sst s8  }
0x11: {  	[smem:$0x3FB3] =	sst s9;
	s0 =	simm.s32 @!p0 $0x0  }
0x12: {  	s1 =	sld [smem:$0x3F99];
	s0 =	simm.s32 @p0 $0x1  }
0x13: {  	[smem:$0x3FB4] =	sst s0;
	s0 =	simm.s32 @!p1 $0x0  }
0x14: {  	s2 =	sld [smem:$0x3F98];
	s0 =	simm.s32 @p1 $0x1  }
0x15: {  	[smem:$0x3FB5] =	sst s0;
	s0 =	simm.s32 @!p2 $0x0  }
0x16: {  	s3 =	sld [smem:$0x3FDB];
	s0 =	simm.s32 @p2 $0x1  }
0x17: {  	s4 =	simm.s32 $0x1BF5;
	[smem:$0x3FB7] =	sst s0  }
0x18: {  	s0 =	sld [smem:$0x3F9A];
	_ =	swait.ge [sflag:s4], $0x0  }
0x19: {  	s7 =	sld [smem:$0x3F9B]  }
0x1a: {  	s8 =	sadd.s32 $0xFFFFE003, lr  }
0x1b: {  	s9 =	sadd.s32 $0xFFFFFEF7, lr;
	s5 =	simm.s32 $0xFFFFFFFF;
	p2 =	slt.u32 s8, $0xFFFFF086  }
0x1c: {  	p1 =	slt.u32 s9, $0xF7A;
	s5 =	simm.s32 @!p2 $0x0  }
0x1d: {  	s5 =	simm.s32 @p1 $0x1;
	p0 =	seq.s32 s7, s2  }
0x1e: {  	s7 =	smul.u32 @!p0 $0xF7A, s2;
	p2 =	seq.s32 @!p0 s5, $0x0  }
0x1f: {  	s9 =	smul.u32 $0xF7A, s1;
	s8 =	simm.s32 @!p0 $0x1BF5;
	p2 =	por !p2, p0  }
0x20: {  	[sflag:s8] =	ssyncset.s32 @!p0 $0xFFFFF086;
	s6 =	sadd.s32 @!p0 s3, s7;
	s7 =	simm.s32 @!p0 $0x108  }
0x21: {  	s3 =	sadd.s32 s3, s9;
	s6 =	sadd.s32 @!p0 $0x88, s6;
	s7 =	simm.s32 @p2 $0x1082  }
0x22: {  	[simem:s7], [sflag:s8] =	dma.local @!p0 [hbm:s6], $0xF7A  }
0x23: {  	s9 =	sor.u32 $0xD0000000, s2;
	s6 =	simm.s32 $0x108;
	_ =	swait.ge @!p0 [sflag:s8], $0x0  }
0x24: {  	s3 =	sadd.s32 $0x88, s3;
	s6 =	simm.s32 @!p1 $0x1082;
	[sflag:s4] =	ssyncset.s32 $0xFFFFF086  }
0x25: {  	[simem:s6], [sflag:s4] =	dma.local [hbm:s3], $0xF7A  }
0x26: {  	[smem:$0x3F9B] =	sst s1;
	(tag) =	ssettag s2;
	_ =	strace s9  }
0x27: {  	s1 =	sld [smem:$0x3FAB]  }
0x28: {  	s2 =	sld [smem:$0x3FAC]  }
0x29: {  	s4 =	sld [smem:$0x3FAE]  }
0x2a: {  	p0 =	seq.s32 s5, $0x0;
	s5 =	sld [smem:$0x3FAF]  }
0x2b: {  	s6 =	sld [smem:$0x3FB0]  }
0x2c: {  	s7 =	sld [smem:$0x3FB1]  }
0x2d: {  	s3 =	simm.s32 $0x108;
	s8 =	sld [smem:$0x3FB2]  }
0x2e: {  	s3 =	simm.s32 @!p0 $0x1082;
	s9 =	sld [smem:$0x3FB3]  }
0x2f: {  	lr =	sadd.s32 s0, s3;
	s0 =	sld [smem:$0x3FAA]  }
0x30: {  	s3 =	sld [smem:$0x3FAD]  }
0x31: {  	[smem:$0x3FB6] =	sst s10  }
0x32: {  	s10 =	sld [smem:$0x3FB4];
	_ =	sdelay $0x3  }
0x33: {  	p0 =	seq.s32 s10, $0x1;
	s10 =	sld [smem:$0x3FB6];
	_ =	sdelay $0x3  }
0x34: {  	[smem:$0x3FB6] =	sst s10  }
0x35: {  	s10 =	sld [smem:$0x3FB5];
	_ =	sdelay $0x3  }
0x36: {  	p1 =	seq.s32 s10, $0x1;
	s10 =	sld [smem:$0x3FB6];
	_ =	sdelay $0x3  }
0x37: {  	[smem:$0x3FB6] =	sst s10  }
0x38: {  	s10 =	sld [smem:$0x3FB7]  }
0x39: {  	_ = 	snop;
	(pc) =	sbr.ind lr, $3  }
0x3a: {  	_ = 	snop  }
0x3b: {  	_ = 	snop  }
0x3c: {  	p2 =	seq.s32 s10, $0x1;
	s10 =	sld [smem:$0x3FB6]  }
0x3d: {  	_ =	shalt  }
0x3e: {  	_ =	shalt  }
0x3f: {  	_ =	shalt  }
0x40: {  	_ =	shalt  }
0x41: {  	_ =	shalt  }
0x42: {  	_ =	shalt  }
0x43: {  	_ =	shalt  }
0x44: {  	_ =	shalt  }
0x45: {  	_ =	shalt  }
0x46: {  	_ =	shalt  }
0x47: {  	_ =	shalt  }
0x48: {  	_ =	shalt  }
0x49: {  	_ =	shalt  }
0x4a: {  	_ =	shalt  }
0x4b: {  	_ =	shalt  }
0x4c: {  	_ =	shalt  }
0x4d: {  	_ =	shalt  }
0x4e: {  	_ =	shalt  }
0x4f: {  	_ =	shalt  }
0x50: {  	_ =	shalt  }
0x51: {  	_ =	shalt  }
0x52: {  	_ =	shalt  }
0x53: {  	_ =	shalt  }
0x54: {  	_ =	shalt  }
0x55: {  	_ =	shalt  }
0x56: {  	_ =	shalt  }
0x57: {  	_ =	shalt  }
0x58: {  	_ =	shalt  }
0x59: {  	_ =	shalt  }
0x5a: {  	_ =	shalt  }
0x5b: {  	_ =	shalt  }
0x5c: {  	_ =	shalt  }
0x5d: {  	_ =	shalt  }
0x5e: {  	_ =	shalt  }
0x5f: {  	_ =	shalt  }
0x60: {  	_ =	shalt  }
0x61: {  	_ =	shalt  }
0x62: {  	_ =	shalt  }
0x63: {  	_ =	shalt  }
0x64: {  	_ =	shalt  }
0x65: {  	_ =	shalt  }
0x66: {  	_ =	shalt  }
0x67: {  	_ =	shalt  }
0x68: {  	_ =	shalt  }
0x69: {  	_ =	shalt  }
0x6a: {  	_ =	shalt  }
0x6b: {  	_ =	shalt  }
0x6c: {  	_ =	shalt  }
0x6d: {  	_ =	shalt  }
0x6e: {  	_ =	shalt  }
0x6f: {  	_ =	shalt  }
0x70: {  	_ =	shalt  }
0x71: {  	_ =	shalt  }
0x72: {  	_ =	shalt  }
0x73: {  	_ =	shalt  }
0x74: {  	_ =	shalt  }
0x75: {  	_ =	shalt  }
0x76: {  	_ =	shalt  }
0x77: {  	_ =	shalt  }
0x78: {  	_ =	shalt  }
0x79: {  	_ =	shalt  }
0x7a: {  	_ =	shalt  }
0x7b: {  	_ =	shalt  }
0x7c: {  	_ =	shalt  }
0x7d: {  	_ =	shalt  }
0x7e: {  	_ =	shalt  }
0x7f: {  	_ =	shalt  }
0x80: {  	_ =	shalt  }
0x81: {  	_ =	shalt  }
0x82: {  	_ =	shalt  }
0x83: {  	_ =	shalt  }
0x84: {  	_ =	shalt  }
0x85: {  	_ =	shalt  }
0x86: {  	_ =	shalt  }
0x87: {  	_ =	shalt  }
.Lfunc_end0:
.L_simem_size_0:
called_computation.2_lowered:
.L_overlay_start_0:
0x88: {  	s2 =	sld [smem:$0x3FD9]  }
0x89: {  	s3 =	sld [smem:$0x3FFE];
	_ =	sdelay $0x1  }
0x8a: {  	s1 =	srdreg.scid  }
0x8b: {  	s0 =	sand.u32 $0x1, s1  }
0x8c: {  	s16 =	sshll.u32 s0, $0xA;
	s2 =	sadd.s32 s3, s2  }
0x8d: {  	s2 =	sadd.s32 s2, s16  }
0x8e: {  	[smem:$0x3FC2] =	sst s2  }
0x8f: {  	_ = 	snop  }
0x90: {  	(tm) =	ssettm $0x1  }
0x91: {  	s17 =	sld [smem:$0x3FFB];
	_ =	sdelay $0x3  }
0x92: {  	_ =	strace s17  }
0x93: {  	s2 =	sld [smem:$0x3FFC];
	_ =	sdelay $0x3  }
0x94: {  	_ =	strace s2  }
0x95: {  	s2 =	sld [smem:$0x3FFD];
	_ =	sdelay $0x3  }
0x96: {  	_ =	strace s2  }
0x97: {  	_ =	strace $0x8FFFFFFF  }
0x98: {  	s18 =	sld [smem:$0x3FDB];
	_ =	sdelay $0x1  }
0x99: {  	s19 =	simm.s32 $_scs_section_size  }
0x9a: {  	s4 =	simm.s32 $_size__tile_overlayer_lowered;
	s5 =	simm.s32 $_tile_overlayer_lowered  }
0x9b: {  	s22 =	simm.s32 $0x1BFF;
	s21 =	sshll.u32 s5, $0x1;
	s2 =	sadd.s32 s19, s18  }
0x9c: {  	s6 =	simm.s32 $0x0;
	s20 =	sshll.u32 s4, $0x1;
	s4 =	sadd.s32 s21, s2  }
0x9d: {  	[timem:s6], [sflag:s22] =	dma.local [hbm:s4], s20  }
0x9e: {  	_ =	swait.ge [sflag:s22], s20  }
0x9f: {  	s3 =	ssub.s32 $0x0, s20;
	[sflag:s22] =	ssyncset.done $0x0  }
0xa0: {  	[sflag:s22] =	ssyncadd.s32 s3;
	_ =	sdelay $0x1  }
0xa1: {  	s23 =	simm.s32 $0x1B8B  }
0xa2: {  	_ =	swait.ge [sflag:s23], $0x1  }
0xa3: {  	[sflag:s23] =	ssyncset.done $0x0  }
0xa4: {  	s25 =	simm.s32 $0x1B8E;
	s24 =	sld [smem:$0x3FFE];
	[sflag:s23] =	ssyncadd.s32 $0xFFFFFFFF  }
0xa5: {  	s26 =	simm.s32 $execute0_lowered;
	[smem:$0x3FD2] =	sst s25  }
0xa6: {  	s4 =	sshll.u32 s26, $0x1;
	_ =	strace $0x8000004C;
	[dreg:$0x1] =	wrdreg $0xFFFFFFFF  }
0xa7: {  	s28 =	simm.s32 $_size_execute0_lowered;
	s2 =	sadd.s32 s2, s4;
	[dreg:$0x0] =	wrdreg $0x0  }
0xa8: {  	s4 =	sshll.u32 s28, $0x1;
	[dreg:$0x2] =	wrdreg s2  }
0xa9: {  	[dreg:$0x3] =	wrdreg s4  }
0xaa: {  	[dreg:$0x4] =	wrdreg $0xC0  }
0xab: {  	_ =	task [dreg:s6], $0x5FFFF  }
0xac: {  	[dreg:$0x1] =	wrdreg $0xFFFFFFFF  }
0xad: {  	[dreg:$0x0] =	wrdreg $0x60  }
0xae: {  	[dreg:$0x2] =	wrdreg s24  }
0xaf: {  	[dreg:$0x3] =	wrdreg $0xA4600  }
0xb0: {  	[dreg:$0x4] =	wrdreg $0x9  }
0xb1: {  	_ =	task.clear_ibuf [dreg:s6], $0x5FFFF;
	_ =	strace $0x9000004C  }
0xb2: {  	s29 =	simm.s32 $0x9;
	_ =	strace $0x8000004E  }
0xb3: {  	_ =	swait.ge [sflag:s29], $0x1  }
0xb4: {  	[sflag:s29] =	ssyncadd.s32 $0xFFFFFFFF  }
0xb5: {  	_ =	strace $0x9000004E  }
0xb6: {  	_ =	sfence  }
0xb7: {  	s30 =	sld [smem:$0x0];
	_ =	sdelay $0x2  }
0xb8: {  	s31 =	sshll.u32 s1, $0xD;
	s1 =	sshrl.u32 s1, $0x2  }
0xb9: {  	s3 =	sand.u32 $0x4000, s31;
	s1 =	sadd.s32 s1, s30  }
0xba: {  	s0 =	sor.u32 s3, s0;
	s1 =	sshll.u32 s1, $0x11  }
0xbb: {  	s0 =	sor.u32 s1, s0  }
0xbc: {  	s0 =	sadd.s32 $0x8F2B, s0  }
0xbd: {  	[sflag:s0] =	ssyncadd.remote.s32 $0x1  }
0xbe: {  	_ =	sfence.sel $0xFFFF  }
0xbf: {  	[dreg:$0x0] =	wrdreg $0xFFFFFFFF;
	(pc) =	sbr.abs _section_cstart, $3  }
0xc0: {  	[dreg:$0x1] =	wrdreg $0xFFFFFFFF  }
0xc1: {  	_ =	task.clear_ibuf [dreg:s6], $0x2FFFF;
	_ =	strace $0x9FFFFFFF  }
0xc2: {  	(tm) =	ssettm $0x7FFFFFFF  }
0xc3: {  	_ =	shalt  }
tec
execute0_lowered:
.L_overlay_start_1:
0x0: {  	(tag) =	ssettag $0x1  }
0x1: {  	s6 =	rddreg [dreg:$0x0]  }
0x2: {  	s0 =	srdreg.scid;
	s2 =	rddreg [dreg:$0x1]  }
0x3: {  	s3 =	simm.s32 $0x0;
	s15 =	simm.s32 $0x2800;
	s16 =	simm.s32 $0x7D  }
0x4: {  	s17 =	simm.s32 $0x5000;
	s18 =	simm.s32 $0x6770;
	s19 =	simm.s32 $0x1  }
0x5: {  	s20 =	simm.s32 $0x2;
	s21 =	simm.s32 $0x2780;
	s5 =	sand.u32 $0x1, s0  }
0x6: {  	s22 =	simm.s32 $0x4F00;
	s0 =	stileid.u32;
	s7 =	smul.u32 $0x75300, s5  }
0x7: {  	s23 =	simm.s32 $0x4F80;
	s25 =	simm.s32 $0x0;
	s13 =	smul.u32 $0xBB80, s0  }
0x8: {  	[smem:$0x7FF] =	sst s3;
	s1 =	sshll.u32 s5, $0x4;
	s9 =	smul.u32 $0x2EE00, s0  }
0x9: {  	s5 =	ssub.s32 $0x2, s5;
	p0 =	sgt.u32 s0, $0x9;
	s1 =	sor.u32 s0, s1  }
0xa: {  	s30 =	sshrl.u32 s5, $0x1;
	s4 =	smul.u32 $0x2800, s1;
	s1 =	rddreg [dreg:$0x2]  }
0xb: {  	_ =	strace $0x8000004D;
	s7 =	sadd.s32 s13, s7;
	s31 =	sshrl.u32 s9, $0x2  }
0xc: {  	s14 =	ssub.s32 s5, s30;
	s24 =	sadd.s32 s13, s2;
	s7 =	sshrl.u32 s7, $0x3  }
0xd: {  	s13 =	smax.u32 s14, $0x1;
	s14 =	simm.s32 $0x3;
	s4 =	sshrl.u32 s4, $0x3  }
0xe: {  	s24 =	sshrl.u32 @!p0 s24, $0x3;
	s12 =	sadd.s32 s7, s6;
	s8 =	sadd.s32 s4, s6  }
0xf: {  	s4 =	sadd.s32 $0x2C00, s6;
	s6 =	sadd.s32 s31, s2;
	s12 =	sadd.s32 $0x11800, s12  }
0x10: {  	s5 =	sadd.s32 $0xEDE00, s8;
	s7 =	sadd.s32 $0xF7E00, s8;
	s8 =	sadd.s32 $0x2580, s6  }
0x11: {  	v0 =	vimm.f32 $0.0e+00;
	s9 =	sadd.s32 $0x4B00, s6;
	s10 =	sadd.s32 $0x7080, s6;
	s11 =	sadd.s32 $0x9600, s6  }
.LBB2_1:
0x12: {  	[tilespmem:s3], [sflag:$0x3] =	stream.linear.gather [hbm4b:s5+s3], $0x2800, $0x38;
	[tilespmem:$0x11990] =	vst v63  }
0x13: {  	_ =	swait.ge [sflag:s14], $0x2800  }
0x14: {  	[sflag:s14] =	ssyncset.done $0x0  }
0x15: {  	[sflag:s14] =	ssyncadd.s32 $0xFFFFD800  }
0x16: {  	[tilespmem:s15], [sflag:$0x3] =	stream.linear.gather [hbm4b:s7+s3], $0x2800, $0x38;
	[tilespmem:$0x11990] =	vst v63  }
0x17: {  	_ =	swait.ge [sflag:s14], $0x2800  }
0x18: {  	[sflag:s14] =	ssyncset.done $0x0  }
0x19: {  	s26 =	simm.s32 $0xC0;
	s28 =	simm.s32 $0x0;
	[sflag:s14] =	ssyncadd.s32 $0xFFFFD800  }
.LBB2_2:
0x1a: {  	p1 =	sne.s32 s26, $0x9540;
	[tilespmem:s28+$0x7F00] =	vst v0;
	s29 =	smov.u32 s26;
	s26 =	sadd.s32 $0xC0, s26  }
.Ltmp0:
0x1b: {  	[tilespmem:s28+$0x7EE0] =	vst v0;
	(pc) =	sbr.rel @p1 .LBB2_2-.Ltmp0, $2  }
0x1c: {  	[tilespmem:s28+$0x7EF0] =	vst v0;
	_ =	sdelay $0x2  }
0x1d: {  	s28 =	sshra.s32 s29, $0x2  }
0x1e: {  	[tilespmem:s28+$0x7F00] =	vst v0  }
0x1f: {  	[tilespmem:s28+$0x7EE0] =	vst v0  }
0x20: {  	[tilespmem:s28+$0x7EF0] =	vst v0;
	s26 =	simm.s32 @!p0 $0x7EE0;
	s28 =	simm.s32 @!p0 $0x3  }
0x21: {  	[spmem:s6] =	stream.linear.scatter @!p0 [tilespmem:s26], [sflag:$0x3], $0x2580, $0x38;
	[tilespmem:$0x11990] =	vst v63  }
0x22: {  	_ =	swait.ge @!p0 [sflag:s28], $0x2580  }
0x23: {  	[sflag:s28] =	ssyncset.done @!p0 $0x0  }
0x24: {  	[sflag:s28] =	ssyncadd.s32 @!p0 $0xFFFFDA80  }
0x25: {  	[spmem:s8] =	stream.linear.scatter @!p0 [tilespmem:s26], [sflag:$0x3], $0x2580, $0x38;
	[tilespmem:$0x11990] =	vst v63  }
0x26: {  	_ =	swait.ge @!p0 [sflag:s28], $0x2580  }
0x27: {  	[sflag:s28] =	ssyncset.done @!p0 $0x0  }
0x28: {  	[sflag:s28] =	ssyncadd.s32 @!p0 $0xFFFFDA80  }
0x29: {  	[spmem:s9] =	stream.linear.scatter @!p0 [tilespmem:s26], [sflag:$0x3], $0x2580, $0x38;
	[tilespmem:$0x11990] =	vst v63  }
0x2a: {  	_ =	swait.ge @!p0 [sflag:s28], $0x2580  }
0x2b: {  	[sflag:s28] =	ssyncset.done @!p0 $0x0  }
0x2c: {  	[sflag:s28] =	ssyncadd.s32 @!p0 $0xFFFFDA80  }
0x2d: {  	[spmem:s10] =	stream.linear.scatter @!p0 [tilespmem:s26], [sflag:$0x3], $0x2580, $0x38;
	[tilespmem:$0x11990] =	vst v63  }
0x2e: {  	_ =	swait.ge @!p0 [sflag:s28], $0x2580  }
0x2f: {  	[sflag:s28] =	ssyncset.done @!p0 $0x0  }
0x30: {  	[sflag:s28] =	ssyncadd.s32 @!p0 $0xFFFFDA80  }
0x31: {  	[spmem:s11] =	stream.linear.scatter @!p0 [tilespmem:s26], [sflag:$0x3], $0x2580, $0x38;
	[tilespmem:$0x11990] =	vst v63  }
0x32: {  	_ =	swait.ge @!p0 [sflag:s28], $0x2580  }
0x33: {  	[sflag:s28] =	ssyncset.done @!p0 $0x0  }
0x34: {  	[sflag:s28] =	ssyncadd.s32 @!p0 $0xFFFFDA80  }
0x35: {  	s30 =	simm.s32 $0x0;
	[bflag:$0x0] =	sbarrier.arrive $0xFFFF  }
0x36: {  	[tilespmem:s17], [sflag:$0x1] =	stream.indirect.gather [hbm4b:s4+s16], $0x30, s30, s16, $0xb8;
	[tilespmem:$0x11990] =	vst v63  }
0x37: {  	s31 =	simm.s32 $0x80  }
0x38: {  	[tilespmem:s18], [sflag:$0x2] =	stream.indirect.gather [hbm4b:s4+s16], $0x30, s31, s16, $0xb8;
	[tilespmem:$0x11990] =	vst v63  }
0x39: {  	_ =	swait.ge [sflag:s19], $0x1770  }
0x3a: {  	[sflag:s19] =	ssyncset.done $0x0  }
0x3b: {  	s29 =	simm.s32 $0x2800;
	[sflag:s19] =	ssyncadd.s32 $0xFFFFE890  }
0x3c: {  	[spmem:s2] =	stream.indirect.scatter.add.f32 [tilespmem:s17], [sflag:$0x3], $0x30, s29, s16, $0xb8;
	[tilespmem:$0x11990] =	vst v63  }
0x3d: {  	_ =	swait.ge [sflag:s14], $0x1770  }
0x3e: {  	[sflag:s14] =	ssyncset.done $0x0  }
0x3f: {  	s30 =	simm.s32 $0x100;
	[sflag:s14] =	ssyncadd.s32 $0xFFFFE890  }
0x40: {  	[tilespmem:s17], [sflag:$0x1] =	stream.indirect.gather [hbm4b:s4+s16], $0x30, s30, s16, $0xb8;
	[tilespmem:$0x11990] =	vst v63  }
0x41: {  	_ =	swait.ge [sflag:s20], $0x1770  }
0x42: {  	[sflag:s20] =	ssyncset.done $0x0  }
0x43: {  	s31 =	simm.s32 $0x2880;
	[sflag:s20] =	ssyncadd.s32 $0xFFFFE890  }
0x44: {  	[spmem:s2] =	stream.indirect.scatter.add.f32 [tilespmem:s18], [sflag:$0x3], $0x30, s31, s16, $0xb8;
	[tilespmem:$0x11990] =	vst v63  }
0x45: {  	_ =	swait.ge [sflag:s14], $0x1770  }
0x46: {  	s26 =	simm.s32 $0x100;
	s28 =	simm.s32 $0x800;
	[sflag:s14] =	ssyncset.done $0x0  }
.LBB2_4:
0x47: {  	s29 =	sadd.s32 $0x80, s26  }
0x48: {  	[sflag:s14] =	ssyncadd.s32 $0xFFFFE890;
	s30 =	smov.u32 s28;
	s31 =	sadd.s32 $0x400, s28  }
0x49: {  	[tilespmem:s18], [sflag:$0x2] =	stream.indirect.gather [hbm4b:s4+s16], $0x30, s29, s16, $0xb8;
	[tilespmem:$0x11990] =	vst v63  }
0x4a: {  	p1 =	sne.s32 s28, $0x9800;
	_ =	swait.ge [sflag:s19], $0x1770  }
0x4b: {  	[sflag:s19] =	ssyncset.done $0x0  }
0x4c: {  	s28 =	sadd.s32 $0x2800, s26;
	[sflag:s19] =	ssyncadd.s32 $0xFFFFE890  }
0x4d: {  	[spmem:s2] =	stream.indirect.scatter.add.f32 [tilespmem:s17], [sflag:$0x3], $0x30, s28, s16, $0xb8;
	[tilespmem:$0x11990] =	vst v63  }
0x4e: {  	_ =	swait.ge [sflag:s14], $0x1770  }
0x4f: {  	[sflag:s14] =	ssyncset.done $0x0  }
0x50: {  	s28 =	sadd.s32 $0x100, s26;
	[sflag:s14] =	ssyncadd.s32 $0xFFFFE890  }
0x51: {  	[tilespmem:s17], [sflag:$0x1] =	stream.indirect.gather [hbm4b:s4+s16], $0x30, s28, s16, $0xb8;
	[tilespmem:$0x11990] =	vst v63  }
0x52: {  	_ =	swait.ge [sflag:s20], $0x1770  }
.Ltmp1:
0x53: {  	[sflag:s20] =	ssyncset.done $0x0;
	(pc) =	sbr.rel @p1 .LBB2_4-.Ltmp1, $4  }
0x54: {  	s26 =	sadd.s32 $0x2880, s26;
	[sflag:s20] =	ssyncadd.s32 $0xFFFFE890  }
0x55: {  	[spmem:s2] =	stream.indirect.scatter.add.f32 [tilespmem:s18], [sflag:$0x3], $0x30, s26, s16, $0xb8;
	[tilespmem:$0x11990] =	vst v63  }
0x56: {  	_ =	swait.ge [sflag:s14], $0x1770  }
0x57: {  	s28 =	smov.u32 s31;
	s26 =	sshra.s32 s30, $0x2;
	[sflag:s14] =	ssyncset.done $0x0  }
0x58: {  	s28 =	sadd.s32 $0x80, s26;
	[sflag:s14] =	ssyncadd.s32 $0xFFFFE890  }
0x59: {  	[tilespmem:s18], [sflag:$0x2] =	stream.indirect.gather [hbm4b:s4+s16], $0x30, s28, s16, $0xb8;
	[tilespmem:$0x11990] =	vst v63  }
0x5a: {  	_ =	swait.ge [sflag:s19], $0x1770  }
0x5b: {  	[sflag:s19] =	ssyncset.done $0x0  }
0x5c: {  	s29 =	sadd.s32 $0x2800, s26;
	[sflag:s19] =	ssyncadd.s32 $0xFFFFE890  }
0x5d: {  	[spmem:s2] =	stream.indirect.scatter.add.f32 [tilespmem:s17], [sflag:$0x3], $0x30, s29, s16, $0xb8;
	[tilespmem:$0x11990] =	vst v63  }
0x5e: {  	_ =	swait.ge [sflag:s14], $0x1770  }
0x5f: {  	[sflag:s14] =	ssyncset.done $0x0  }
0x60: {  	s30 =	sadd.s32 $0x100, s26;
	[sflag:s14] =	ssyncadd.s32 $0xFFFFE890  }
0x61: {  	[tilespmem:s17], [sflag:$0x1] =	stream.indirect.gather [hbm4b:s4+s16], $0x30, s30, s16, $0xb8;
	[tilespmem:$0x11990] =	vst v63  }
0x62: {  	_ =	swait.ge [sflag:s20], $0x1770  }
0x63: {  	[sflag:s20] =	ssyncset.done $0x0  }
0x64: {  	s31 =	sadd.s32 $0x2880, s26;
	[sflag:s20] =	ssyncadd.s32 $0xFFFFE890  }
0x65: {  	[spmem:s2] =	stream.indirect.scatter.add.f32 [tilespmem:s18], [sflag:$0x3], $0x30, s31, s16, $0xb8;
	[tilespmem:$0x11990] =	vst v63  }
0x66: {  	_ =	swait.ge [sflag:s14], $0x1770  }
0x67: {  	[sflag:s14] =	ssyncset.done $0x0  }
0x68: {  	[sflag:s14] =	ssyncadd.s32 $0xFFFFE890  }
0x69: {  	[tilespmem:s18], [sflag:$0x2] =	stream.indirect.gather [hbm4b:s4+s16], $0x30, s21, s16, $0xb8;
	[tilespmem:$0x11990] =	vst v63  }
0x6a: {  	_ =	swait.ge [sflag:s19], $0x1770  }
0x6b: {  	[sflag:s19] =	ssyncset.done $0x0  }
0x6c: {  	[sflag:s19] =	ssyncadd.s32 $0xFFFFE890  }
0x6d: {  	[spmem:s2] =	stream.indirect.scatter.add.f32 [tilespmem:s17], [sflag:$0x3], $0x30, s22, s16, $0xb8;
	[tilespmem:$0x11990] =	vst v63  }
0x6e: {  	_ =	swait.ge [sflag:s14], $0x1770  }
0x6f: {  	[sflag:s14] =	ssyncset.done $0x0  }
0x70: {  	[sflag:s14] =	ssyncadd.s32 $0xFFFFE890  }
0x71: {  	_ =	swait.ge [sflag:s20], $0x1770  }
0x72: {  	[sflag:s20] =	ssyncset.done $0x0  }
0x73: {  	[sflag:s20] =	ssyncadd.s32 $0xFFFFE890  }
0x74: {  	[spmem:s2] =	stream.indirect.scatter.add.f32 [tilespmem:s18], [sflag:$0x3], $0x30, s23, s16, $0xb8;
	[tilespmem:$0x11990] =	vst v63  }
0x75: {  	_ =	swait.ge [sflag:s14], $0x1770  }
0x76: {  	[sflag:s14] =	ssyncset.done $0x0  }
0x77: {  	s26 =	sshll.u32 @!p0 s0, $0x6;
	s25 =	sadd.s32 $0x1, s25;
	[sflag:s14] =	ssyncadd.s32 $0xFFFFE890  }
0x78: {  	s26 =	sor.u32 @!p0 $0x1C03, s26;
	p1 =	sne.s32 s25, s13;
	[bflag:$0x0] =	sbarrier.arrive $0xFFFF  }
0x79: {  	[hbm:s12], [sflag:s26] =	dma.local @!p0 [spmem:s24], $0x1770  }
.Ltmp2:
0x7a: {  	_ = 	snop;
	(pc) =	sbr.rel @p1 .LBB2_1-.Ltmp2, $4  }
0x7b: {  	s26 =	simm.s32 @!p0 $0x3  }
0x7c: {  	_ =	swait.ge @!p0 [sflag:s26], $0x1770  }
0x7d: {  	[sflag:s26] =	ssyncset.done @!p0 $0x0  }
0x7e: {  	[sflag:s26] =	ssyncadd.s32 @!p0 $0xFFFFE890  }
0x7f: {  	_ =	sfence.sel $0x180000  }
0x80: {  	[bflag:$0x0] =	sbarrier.arrive $0xFFFF  }
0x81: {  	p0 =	sne.s32 s0, $0x0;
	_ =	strace $0x9000004D  }
0x82: {  	s0 =	sadd.s32 @!p0 $0x100000, s1;
	[bflag:$0x2] =	sbarrier.arrive $0xFFFF  }
0x83: {  	[sflag:s0] =	ssyncadd.tile.s32 @!p0 $0x1;
	_ =	shalt  }
.Lfunc_end2:
_tile_overlayer_lowered:
.L_overlay_start_2:
0x84: {  	(tag) =	ssettag $0x2  }
0x85: {  	s0 =	rddreg [dreg:$0x0];
	s2 =	stileid.u32  }
0x86: {  	s1 =	rddreg [dreg:$0x1];
	p0 =	sne.s32 s2, $0x0  }
0x87: {  	s3 =	rddreg [dreg:$0x2];
	[bflag:$0x3] =	sbarrier.arrive $0xFFFF;
	s2 =	simm.s32 @!p0 $0x1C03  }
0x88: {  	[timem:s3], [sflag:s2] =	dma.local @!p0 [hbm:s0], s1  }
0x89: {  	s0 =	simm.s32 @!p0 $0x3  }
0x8a: {  	_ =	swait.ge @!p0 [sflag:s0], s1  }
0x8b: {  	s1 =	ssub.s32 @!p0 $0x0, s1;
	[sflag:s0] =	ssyncset.done @!p0 $0x0  }
0x8c: {  	[sflag:s0] =	ssyncadd.s32 @!p0 s1  }
0x8d: {  	[bflag:$0x3] =	sbarrier.arrive $0xFFFF  }
0x8e: {  	_ =	shalt  }

// kernel: kernel.8.cloned.1.call-start
scs
__scs_entry_jumppad:
0x0: {  	(pc) =	sbr.rel $0x88, $3  }
0x1: {  	(tag) =	ssettag $0x0;
	lr =	simm.s32 $0x1  }
0x2: {  	[smem:$0x3F9B] =	sst lr;
	_ =	strace $0xD0000000  }
0x3: {  	_ = 	snop  }
0x4: {  	_ = 	snop  }
0x5: {  	_ = 	snop  }
0x6: {  	_ = 	snop  }
0x7: {  	_ = 	snop  }
__scs_overlays_trampoline_lowered:
0x8: {  	[smem:$0x3FAA] =	sst s0  }
0x9: {  	[smem:$0x3FAB] =	sst s1  }
0xa: {  	[smem:$0x3FAC] =	sst s2  }
0xb: {  	[smem:$0x3FAD] =	sst s3  }
0xc: {  	[smem:$0x3FAE] =	sst s4  }
0xd: {  	[smem:$0x3FAF] =	sst s5  }
0xe: {  	[smem:$0x3FB0] =	sst s6  }
0xf: {  	[smem:$0x3FB1] =	sst s7  }
0x10: {  	[smem:$0x3FB2] =	sst s8  }
0x11: {  	[smem:$0x3FB3] =	sst s9;
	s0 =	simm.s32 @!p0 $0x0  }
0x12: {  	s1 =	sld [smem:$0x3F99];
	s0 =	simm.s32 @p0 $0x1  }
0x13: {  	[smem:$0x3FB4] =	sst s0;
	s0 =	simm.s32 @!p1 $0x0  }
0x14: {  	s2 =	sld [smem:$0x3F98];
	s0 =	simm.s32 @p1 $0x1  }
0x15: {  	[smem:$0x3FB5] =	sst s0;
	s0 =	simm.s32 @!p2 $0x0  }
0x16: {  	s3 =	sld [smem:$0x3FDB];
	s0 =	simm.s32 @p2 $0x1  }
0x17: {  	s4 =	simm.s32 $0x1BF5;
	[smem:$0x3FB7] =	sst s0  }
0x18: {  	s0 =	sld [smem:$0x3F9A];
	_ =	swait.ge [sflag:s4], $0x0  }
0x19: {  	s7 =	sld [smem:$0x3F9B]  }
0x1a: {  	s8 =	sadd.s32 $0xFFFFE003, lr  }
0x1b: {  	s9 =	sadd.s32 $0xFFFFFEF7, lr;
	s5 =	simm.s32 $0xFFFFFFFF;
	p2 =	slt.u32 s8, $0xFFFFF086  }
0x1c: {  	p1 =	slt.u32 s9, $0xF7A;
	s5 =	simm.s32 @!p2 $0x0  }
0x1d: {  	s5 =	simm.s32 @p1 $0x1;
	p0 =	seq.s32 s7, s2  }
0x1e: {  	s7 =	smul.u32 @!p0 $0xF7A, s2;
	p2 =	seq.s32 @!p0 s5, $0x0  }
0x1f: {  	s9 =	smul.u32 $0xF7A, s1;
	s8 =	simm.s32 @!p0 $0x1BF5;
	p2 =	por !p2, p0  }
0x20: {  	[sflag:s8] =	ssyncset.s32 @!p0 $0xFFFFF086;
	s6 =	sadd.s32 @!p0 s3, s7;
	s7 =	simm.s32 @!p0 $0x108  }
0x21: {  	s3 =	sadd.s32 s3, s9;
	s6 =	sadd.s32 @!p0 $0x88, s6;
	s7 =	simm.s32 @p2 $0x1082  }
0x22: {  	[simem:s7], [sflag:s8] =	dma.local @!p0 [hbm:s6], $0xF7A  }
0x23: {  	s9 =	sor.u32 $0xD0000000, s2;
	s6 =	simm.s32 $0x108;
	_ =	swait.ge @!p0 [sflag:s8], $0x0  }
0x24: {  	s3 =	sadd.s32 $0x88, s3;
	s6 =	simm.s32 @!p1 $0x1082;
	[sflag:s4] =	ssyncset.s32 $0xFFFFF086  }
0x25: {  	[simem:s6], [sflag:s4] =	dma.local [hbm:s3], $0xF7A  }
0x26: {  	[smem:$0x3F9B] =	sst s1;
	(tag) =	ssettag s2;
	_ =	strace s9  }
0x27: {  	s1 =	sld [smem:$0x3FAB]  }
0x28: {  	s2 =	sld [smem:$0x3FAC]  }
0x29: {  	s4 =	sld [smem:$0x3FAE]  }
0x2a: {  	p0 =	seq.s32 s5, $0x0;
	s5 =	sld [smem:$0x3FAF]  }
0x2b: {  	s6 =	sld [smem:$0x3FB0]  }
0x2c: {  	s7 =	sld [smem:$0x3FB1]  }
0x2d: {  	s3 =	simm.s32 $0x108;
	s8 =	sld [smem:$0x3FB2]  }
0x2e: {  	s3 =	simm.s32 @!p0 $0x1082;
	s9 =	sld [smem:$0x3FB3]  }
0x2f: {  	lr =	sadd.s32 s0, s3;
	s0 =	sld [smem:$0x3FAA]  }
0x30: {  	s3 =	sld [smem:$0x3FAD]  }
0x31: {  	[smem:$0x3FB6] =	sst s10  }
0x32: {  	s10 =	sld [smem:$0x3FB4];
	_ =	sdelay $0x3  }
0x33: {  	p0 =	seq.s32 s10, $0x1;
	s10 =	sld [smem:$0x3FB6];
	_ =	sdelay $0x3  }
0x34: {  	[smem:$0x3FB6] =	sst s10  }
0x35: {  	s10 =	sld [smem:$0x3FB5];
	_ =	sdelay $0x3  }
0x36: {  	p1 =	seq.s32 s10, $0x1;
	s10 =	sld [smem:$0x3FB6];
	_ =	sdelay $0x3  }
0x37: {  	[smem:$0x3FB6] =	sst s10  }
0x38: {  	s10 =	sld [smem:$0x3FB7]  }
0x39: {  	_ = 	snop;
	(pc) =	sbr.ind lr, $3  }
0x3a: {  	_ = 	snop  }
0x3b: {  	_ = 	snop  }
0x3c: {  	p2 =	seq.s32 s10, $0x1;
	s10 =	sld [smem:$0x3FB6]  }
0x3d: {  	_ =	shalt  }
0x3e: {  	_ =	shalt  }
0x3f: {  	_ =	shalt  }
0x40: {  	_ =	shalt  }
0x41: {  	_ =	shalt  }
0x42: {  	_ =	shalt  }
0x43: {  	_ =	shalt  }
0x44: {  	_ =	shalt  }
0x45: {  	_ =	shalt  }
0x46: {  	_ =	shalt  }
0x47: {  	_ =	shalt  }
0x48: {  	_ =	shalt  }
0x49: {  	_ =	shalt  }
0x4a: {  	_ =	shalt  }
0x4b: {  	_ =	shalt  }
0x4c: {  	_ =	shalt  }
0x4d: {  	_ =	shalt  }
0x4e: {  	_ =	shalt  }
0x4f: {  	_ =	shalt  }
0x50: {  	_ =	shalt  }
0x51: {  	_ =	shalt  }
0x52: {  	_ =	shalt  }
0x53: {  	_ =	shalt  }
0x54: {  	_ =	shalt  }
0x55: {  	_ =	shalt  }
0x56: {  	_ =	shalt  }
0x57: {  	_ =	shalt  }
0x58: {  	_ =	shalt  }
0x59: {  	_ =	shalt  }
0x5a: {  	_ =	shalt  }
0x5b: {  	_ =	shalt  }
0x5c: {  	_ =	shalt  }
0x5d: {  	_ =	shalt  }
0x5e: {  	_ =	shalt  }
0x5f: {  	_ =	shalt  }
0x60: {  	_ =	shalt  }
0x61: {  	_ =	shalt  }
0x62: {  	_ =	shalt  }
0x63: {  	_ =	shalt  }
0x64: {  	_ =	shalt  }
0x65: {  	_ =	shalt  }
0x66: {  	_ =	shalt  }
0x67: {  	_ =	shalt  }
0x68: {  	_ =	shalt  }
0x69: {  	_ =	shalt  }
0x6a: {  	_ =	shalt  }
0x6b: {  	_ =	shalt  }
0x6c: {  	_ =	shalt  }
0x6d: {  	_ =	shalt  }
0x6e: {  	_ =	shalt  }
0x6f: {  	_ =	shalt  }
0x70: {  	_ =	shalt  }
0x71: {  	_ =	shalt  }
0x72: {  	_ =	shalt  }
0x73: {  	_ =	shalt  }
0x74: {  	_ =	shalt  }
0x75: {  	_ =	shalt  }
0x76: {  	_ =	shalt  }
0x77: {  	_ =	shalt  }
0x78: {  	_ =	shalt  }
0x79: {  	_ =	shalt  }
0x7a: {  	_ =	shalt  }
0x7b: {  	_ =	shalt  }
0x7c: {  	_ =	shalt  }
0x7d: {  	_ =	shalt  }
0x7e: {  	_ =	shalt  }
0x7f: {  	_ =	shalt  }
0x80: {  	_ =	shalt  }
0x81: {  	_ =	shalt  }
0x82: {  	_ =	shalt  }
0x83: {  	_ =	shalt  }
0x84: {  	_ =	shalt  }
0x85: {  	_ =	shalt  }
0x86: {  	_ =	shalt  }
0x87: {  	_ =	shalt  }
.Lfunc_end0:
.L_simem_size_0:
called_computation_lowered:
.L_overlay_start_0:
0x88: {  	s2 =	sld [smem:$0x3FD9]  }
0x89: {  	s3 =	sld [smem:$0x3FFE];
	_ =	sdelay $0x1  }
0x8a: {  	s1 =	srdreg.scid  }
0x8b: {  	s0 =	sand.u32 $0x1, s1  }
0x8c: {  	s17 =	sshll.u32 s0, $0xA;
	s2 =	sadd.s32 s3, s2  }
0x8d: {  	s2 =	sadd.s32 s2, s17  }
0x8e: {  	[smem:$0x3FC2] =	sst s2  }
0x8f: {  	_ = 	snop  }
0x90: {  	s2 =	sld [smem:$0x3FD0];
	(tm) =	ssettm $0x1  }
0x91: {  	s18 =	sld [smem:$0x3FFB];
	_ =	sdelay $0x3  }
0x92: {  	_ =	strace s18  }
0x93: {  	s3 =	sld [smem:$0x3FFC];
	_ =	sdelay $0x3  }
0x94: {  	_ =	strace s3  }
0x95: {  	s3 =	sld [smem:$0x3FFD];
	_ =	sdelay $0x3  }
0x96: {  	_ =	strace s3  }
0x97: {  	_ =	strace $0x8FFFFFFF  }
0x98: {  	s19 =	sld [smem:$0x3FDB];
	_ =	sdelay $0x1  }
0x99: {  	s4 =	simm.s32 $_scs_section_size  }
0x9a: {  	s5 =	simm.s32 $_size__tile_overlayer_lowered;
	s6 =	simm.s32 $_tile_overlayer_lowered  }
0x9b: {  	s22 =	simm.s32 $0x1BFF;
	s21 =	sshll.u32 s6, $0x1;
	s3 =	sadd.s32 s4, s19  }
0x9c: {  	s7 =	simm.s32 $0x0;
	s20 =	sshll.u32 s5, $0x1;
	s5 =	sadd.s32 s21, s3  }
0x9d: {  	[timem:s7], [sflag:s22] =	dma.local [hbm:s5], s20  }
0x9e: {  	_ =	swait.ge [sflag:s22], s20  }
0x9f: {  	s4 =	ssub.s32 $0x0, s20;
	[sflag:s22] =	ssyncset.done $0x0  }
0xa0: {  	[sflag:s22] =	ssyncadd.s32 s4;
	_ =	sdelay $0x1  }
0xa1: {  	s23 =	simm.s32 $0x1B8B  }
0xa2: {  	_ =	swait.ge [sflag:s23], $0x1  }
0xa3: {  	[sflag:s23] =	ssyncset.done $0x0  }
0xa4: {  	s25 =	simm.s32 $0x1B8E;
	s24 =	sld [smem:$0x3FFE];
	[sflag:s23] =	ssyncadd.s32 $0xFFFFFFFF  }
0xa5: {  	s26 =	simm.s32 $execute0_lowered;
	[smem:$0x3FD2] =	sst s25  }
0xa6: {  	s5 =	sshll.u32 s26, $0x1;
	_ =	strace $0x80000046;
	[dreg:$0x1] =	wrdreg $0xFFFFFFFF  }
0xa7: {  	s28 =	simm.s32 $_size_execute0_lowered;
	s3 =	sadd.s32 s3, s5;
	[dreg:$0x0] =	wrdreg $0x0  }
0xa8: {  	s5 =	sshll.u32 s28, $0x1;
	[dreg:$0x2] =	wrdreg s3  }
0xa9: {  	[dreg:$0x3] =	wrdreg s5  }
0xaa: {  	[dreg:$0x4] =	wrdreg $0xC0  }
0xab: {  	_ =	task [dreg:s7], $0x5FFFF  }
0xac: {  	[dreg:$0x1] =	wrdreg $0xFFFFFFFF  }
0xad: {  	[dreg:$0x0] =	wrdreg $0x60  }
0xae: {  	[dreg:$0x2] =	wrdreg s24  }
0xaf: {  	[dreg:$0x3] =	wrdreg s2  }
0xb0: {  	[dreg:$0x4] =	wrdreg $0x77900  }
0xb1: {  	[dreg:$0x5] =	wrdreg $0x9  }
0xb2: {  	_ =	task.clear_ibuf [dreg:s7], $0x6FFFF;
	_ =	strace $0x90000046  }
0xb3: {  	s29 =	simm.s32 $0x9;
	_ =	strace $0x80000048  }
0xb4: {  	_ =	swait.ge [sflag:s29], $0x1  }
0xb5: {  	[sflag:s29] =	ssyncadd.s32 $0xFFFFFFFF  }
0xb6: {  	_ =	strace $0x90000048  }
0xb7: {  	_ =	sfence  }
0xb8: {  	s30 =	sld [smem:$0x0];
	_ =	sdelay $0x2  }
0xb9: {  	s31 =	sshll.u32 s1, $0xD;
	s1 =	sshrl.u32 s1, $0x2  }
0xba: {  	s3 =	sand.u32 $0x4000, s31;
	s1 =	sadd.s32 s1, s30  }
0xbb: {  	s0 =	sor.u32 s3, s0;
	s1 =	sshll.u32 s1, $0x11  }
0xbc: {  	s0 =	sor.u32 s1, s0  }
0xbd: {  	s0 =	sadd.s32 $0x8F2B, s0  }
0xbe: {  	[sflag:s0] =	ssyncadd.remote.s32 $0x1  }
0xbf: {  	_ =	sfence.sel $0xFFFF  }
0xc0: {  	[dreg:$0x0] =	wrdreg $0xFFFFFFFF;
	(pc) =	sbr.abs _section_cstart, $3  }
0xc1: {  	[dreg:$0x1] =	wrdreg $0xFFFFFFFF  }
0xc2: {  	_ =	task.clear_ibuf [dreg:s7], $0x2FFFF;
	_ =	strace $0x9FFFFFFF  }
0xc3: {  	(tm) =	ssettm $0x7FFFFFFF  }
tec
execute0_lowered:
.L_overlay_start_1:
0x0: {  	(tag) =	ssettag $0x1  }
0x1: {  	s1 =	rddreg [dreg:$0x0]  }
0x2: {  	s0 =	srdreg.scid;
	s7 =	rddreg [dreg:$0x1]  }
0x3: {  	s26 =	stileid.u32;
	s8 =	rddreg [dreg:$0x2];
	s28 =	simm.s32 $0x270  }
0x4: {  	s29 =	simm.s32 $0x4E20;
	s30 =	simm.s32 $0x7520;
	s4 =	smul.u32 $0x9C40, s26  }
0x5: {  	s31 =	simm.s32 $0x0;
	s0 =	sand.u32 $0x1, s0;
	s6 =	smul.u32 $0x270, s26  }
0x6: {  	s25 =	sadd.s32 $0x2700, s8;
	s10 =	sadd.s32 $0x4E10, s8;
	s11 =	sadd.s32 $0x7520, s8  }
0x7: {  	s12 =	sadd.s32 $0x9C30, s8;
	s13 =	sadd.s32 $0xC340, s8;
	s14 =	sadd.s32 $0xEA50, s8  }
0x8: {  	s15 =	sadd.s32 $0x11160, s8;
	s16 =	sadd.s32 $0x13870, s8;
	s17 =	sadd.s32 $0x15F80, s8  }
0x9: {  	s18 =	sadd.s32 $0x18690, s8;
	s19 =	sadd.s32 $0x1ADA0, s8;
	s20 =	sadd.s32 $0x1D4B0, s8  }
0xa: {  	s21 =	sadd.s32 $0x1FBC0, s8;
	s22 =	sadd.s32 $0x222D0, s8;
	s23 =	sadd.s32 $0x249E0, s8  }
0xb: {  	p0 =	sne.s32 s26, $0xF;
	s2 =	sshll.u32 s0, $0x4;
	s5 =	ssub.s32 $0x2, s0  }
0xc: {  	s0 =	smul.u32 $0x2710, s0;
	s3 =	sor.u32 s26, s2;
	s2 =	simm.s32 $0x0  }
0xd: {  	s9 =	sshrl.u32 s5, $0x1;
	s4 =	sshrl.u32 s4, $0x2;
	s26 =	simm.s32 $0x2710  }
0xe: {  	s3 =	smul.u32 $0x2710, s3;
	[smem:$0x7FF] =	sst s2;
	s9 =	ssub.s32 s5, s9  }
0xf: {  	s4 =	sadd.s32 s4, s8;
	s24 =	sadd.s32 s6, s0;
	s5 =	sadd.s32 s6, s8  }
.Ltmp0:
0x10: {  	s0 =	sshrl.u32 s0, $0x3;
	_ =	strace $0x80000047;
	(pc) =	sbr.rel .LBB2_1-.Ltmp0, $4  }
0x11: {  	[dreg:$0x4] =	wrdreg s25;
	s0 =	sadd.s32 s7, s0;
	s3 =	sshrl.u32 s3, $0x3  }
0x12: {  	s9 =	smax.u32 s9, $0x1;
	s25 =	simm.s32 $0x1;
	s1 =	sadd.s32 s1, s3  }
0x13: {  	s0 =	sadd.s32 $0x4E0, s0;
	s3 =	sadd.s32 $0xC840, s1;
	s1 =	sshrl.u32 s24, $0x3  }
0x14: {  	v0 =	vimm.f32 $0.0e+00;
	v1 =	vimm.f32 $1.000000000e+00;
	[dreg:$0x5] =	wrdreg s0;
	s24 =	sadd.s32 $0x270F0, s8;
	s6 =	sadd.s32 s7, s1  }
.LBB2_9:
0x15: {  	s31 =	sadd.s32 $0x1, s31  }
0x16: {  	p1 =	sne.s32 s31, s9  }
.Ltmp1:
0x17: {  	_ = 	snop;
	(pc) =	sbr.rel @!p1 .LBB2_10-.Ltmp1, $1  }
0x18: {  	_ =	sdelay $0x3  }
.LBB2_1:
0x19: {  	[tilespmem:s2], [sflag:$0x1] =	stream.linear.gather [hbm4b:s3+s2], $0x2710, $0x38;
	[tilespmem:$0x9EA0] =	vst v63  }
0x1a: {  	_ =	swait.ge [sflag:s25], $0x2710  }
0x1b: {  	[sflag:s25] =	ssyncset.done $0x0  }
0x1c: {  	s0 =	simm.s32 $0x0;
	[sflag:s25] =	ssyncadd.s32 $0xFFFFD8F0  }
.LBB2_2:
0x1d: {  	p1 =	sne.s32 s0, $0x9C00  }
.Ltmp2:
0x1e: {  	_ = 	snop;
	(pc) =	sbr.rel @p1 .LBB2_2-.Ltmp2, $3  }
0x1f: {  	_ =	sdelay $0x1  }
0x20: {  	s1 =	sshra.s32 s0, $0x2  }
0x21: {  	s0 =	sadd.s32 $0x40, s0;
	[tilespmem:s1+$0x2710] =	vst v0  }
0x22: {  	s1 =	simm.s32 $0x0;
	s0 =	simm.s32 $0x40  }
.LBB2_4:
0x23: {  	p1 =	sne.s32 s0, $0x9C00;
	v2 =	vld [tilespmem:s1+$0x0];
	_ =	sdelay $0x3  }
.Ltmp3:
0x24: {  	(pc) =	sbr.rel @p1 .LBB2_4-.Ltmp3, $2  }
0x25: {  	_ =	sdelay $0x2  }
0x26: {  	s1 =	sshra.s32 s0, $0x2;
	s0 =	sadd.s32 $0x40, s0;
	[tilespmem:v2+s26+$0x0] =	vst.idx.add.f32.msk $0xffff, v1  }
0x27: {  	v2 =	vld [tilespmem:s1+$0x0];
	_ =	sdelay $0x7  }
0x28: {  	[tilespmem:v2+s26+$0x0] =	vst.idx.add.f32.msk $0xffff, v1  }
0x29: {  	[spmem:s4] =	stream.linear.scatter [tilespmem:s26], [sflag:$0x1], $0x2710, $0x38;
	[tilespmem:$0x9EA0] =	vst v63  }
0x2a: {  	_ =	swait.ge [sflag:s25], $0x2710  }
0x2b: {  	[sflag:s25] =	ssyncset.done $0x0  }
0x2c: {  	[sflag:s25] =	ssyncadd.s32 $0xFFFFD8F0  }
0x2d: {  	[bflag:$0x0] =	sbarrier.arrive $0xFFFF  }
0x2e: {  	[tilespmem:s29], [sflag:$0x1] =	stream.strided.gather [spmem:s5], $0x2700, s26, s28, $0x38;
	[tilespmem:$0x9EA0] =	vst v63  }
0x2f: {  	_ =	swait.ge [sflag:s25], $0x2700  }
0x30: {  	[sflag:s25] =	ssyncset.done $0x0  }
0x31: {  	s0 =	simm.s32 $0x0;
	[sflag:s25] =	ssyncadd.s32 $0xFFFFD900  }
0x32: {  	v2 =	vld [tilespmem:s0+$0x4E20]  }
0x33: {  	v3 =	vld [tilespmem:s0+$0x5090];
	_ =	sdelay $0x1  }
0x34: {  	v4 =	vld [tilespmem:s0+$0x5300];
	_ =	sdelay $0x1  }
0x35: {  	v5 =	vld [tilespmem:s0+$0x5570]  }
0x36: {  	v2 =	vadd.f32 v3, v2  }
0x37: {  	v3 =	vld [tilespmem:s0+$0x57E0]  }
0x38: {  	v2 =	vadd.f32 v4, v2  }
0x39: {  	v4 =	vld [tilespmem:s0+$0x5A50]  }
0x3a: {  	v2 =	vadd.f32 v5, v2  }
0x3b: {  	v5 =	vld [tilespmem:s0+$0x5CC0]  }
0x3c: {  	v2 =	vadd.f32 v3, v2  }
0x3d: {  	v3 =	vld [tilespmem:s0+$0x5F30]  }
0x3e: {  	s1 =	simm.s32 $0x10;
	v6 =	vld [tilespmem:s0+$0x61A0];
	v2 =	vadd.f32 v4, v2  }
0x3f: {  	v7 =	vld [tilespmem:s1+$0x4E20]  }
0x40: {  	v4 =	vld [tilespmem:s0+$0x6410];
	v2 =	vadd.f32 v5, v2  }
0x41: {  	v5 =	vld [tilespmem:s1+$0x5090]  }
0x42: {  	v8 =	vld [tilespmem:s1+$0x5300];
	v2 =	vadd.f32 v3, v2  }
0x43: {  	v3 =	vld [tilespmem:s0+$0x6680]  }
0x44: {  	v9 =	vld [tilespmem:s1+$0x5570];
	v2 =	vadd.f32 v6, v2  }
0x45: {  	v6 =	vld [tilespmem:s0+$0x68F0]  }
0x46: {  	v5 =	vadd.f32 v5, v7;
	v7 =	vld [tilespmem:s1+$0x57E0];
	v2 =	vadd.f32 v4, v2  }
0x47: {  	v4 =	vld [tilespmem:s0+$0x6B60]  }
0x48: {  	v5 =	vadd.f32 v8, v5;
	v8 =	vld [tilespmem:s1+$0x5A50];
	v2 =	vadd.f32 v3, v2  }
0x49: {  	v3 =	vld [tilespmem:s0+$0x6DD0]  }
0x4a: {  	v10 =	vld [tilespmem:s1+$0x5CC0];
	v5 =	vadd.f32 v9, v5;
	v2 =	vadd.f32 v6, v2  }
0x4b: {  	v9 =	vld [tilespmem:s0+$0x7040]  }
0x4c: {  	v6 =	vadd.f32 v7, v5;
	v5 =	vld [tilespmem:s1+$0x5F30];
	v7 =	vadd.f32 v4, v2  }
0x4d: {  	v4 =	vld [tilespmem:s0+$0x72B0]  }
0x4e: {  	v2 =	vld [tilespmem:s1+$0x6410];
	v8 =	vadd.f32 v8, v6;
	v11 =	vadd.f32 v3, v7  }
0x4f: {  	s7 =	simm.s32 $0x20;
	v6 =	vld [tilespmem:s1+$0x61A0]  }
0x50: {  	s8 =	simm.s32 $0xC0;
	v3 =	vld [tilespmem:s7+$0x4E20];
	v7 =	vadd.f32 v10, v8;
	v8 =	vadd.f32 v9, v11  }
.LBB2_6:
0x51: {  	p1 =	sne.s32 s8, $0x980;
	v9 =	vld [tilespmem:s7+$0x5090]  }
0x52: {  	v5 =	vadd.f32 v5, v7;
	v7 =	vld [tilespmem:s1+$0x6680];
	v4 =	vadd.f32 v4, v8  }
0x53: {  	v8 =	vld [tilespmem:s7+$0x5300]  }
0x54: {  	v5 =	vadd.f32 v6, v5;
	v6 =	vld [tilespmem:s1+$0x68F0];
	[tilespmem:s0+$0x7520] =	vst v4;
	s0 =	smov.u32 s1;
	s1 =	smov.u32 s7  }
0x55: {  	v4 =	vld [tilespmem:s1+$0x5570]  }
0x56: {  	v3 =	vadd.f32 v9, v3;
	v2 =	vadd.f32 v2, v5;
	v5 =	vld [tilespmem:s0+$0x6B60]  }
0x57: {  	v9 =	vld [tilespmem:s1+$0x57E0]  }
0x58: {  	v3 =	vadd.f32 v8, v3;
	v2 =	vadd.f32 v7, v2;
	v7 =	vld [tilespmem:s0+$0x6DD0]  }
0x59: {  	v8 =	vld [tilespmem:s1+$0x5A50]  }
0x5a: {  	v3 =	vadd.f32 v4, v3;
	v2 =	vadd.f32 v6, v2;
	v10 =	vld [tilespmem:s0+$0x7040]  }
0x5b: {  	v11 =	vld [tilespmem:s1+$0x5CC0]  }
.Ltmp4:
0x5c: {  	v3 =	vadd.f32 v9, v3;
	v6 =	vadd.f32 v5, v2;
	v4 =	vld [tilespmem:s0+$0x72B0];
	(pc) =	sbr.rel @p1 .LBB2_6-.Ltmp4, $4  }
0x5d: {  	v5 =	vld [tilespmem:s1+$0x5F30]  }
0x5e: {  	v8 =	vadd.f32 v8, v3;
	v2 =	vld [tilespmem:s1+$0x6410];
	v9 =	vadd.f32 v7, v6  }
0x5f: {  	s7 =	sshra.s32 s8, $0x2;
	v6 =	vld [tilespmem:s1+$0x61A0]  }
0x60: {  	s8 =	sadd.s32 $0x40, s8;
	v3 =	vld [tilespmem:s7+$0x4E20];
	v7 =	vadd.f32 v11, v8;
	v8 =	vadd.f32 v10, v9  }
0x61: {  	v9 =	vld [tilespmem:s7+$0x5090]  }
0x62: {  	v10 =	vld [tilespmem:s1+$0x6680];
	v4 =	vadd.f32 v4, v8  }
0x63: {  	v49 =	vld [tilespmem:s7+$0x5300]  }
0x64: {  	v11 =	vld [tilespmem:s1+$0x68F0];
	v5 =	vadd.f32 v5, v7;
	[tilespmem:s0+$0x7520] =	vst v4  }
0x65: {  	v4 =	vld [tilespmem:s7+$0x5570]  }
0x66: {  	v5 =	vadd.f32 v6, v5;
	v3 =	vadd.f32 v9, v3  }
0x67: {  	v50 =	vld [tilespmem:s7+$0x57E0]  }
0x68: {  	v51 =	vld [tilespmem:s1+$0x6B60];
	v2 =	vadd.f32 v2, v5;
	v3 =	vadd.f32 v49, v3  }
0x69: {  	v52 =	vld [tilespmem:s7+$0x5A50]  }
0x6a: {  	v53 =	vld [tilespmem:s1+$0x6DD0];
	v2 =	vadd.f32 v10, v2;
	v3 =	vadd.f32 v4, v3  }
0x6b: {  	v54 =	vld [tilespmem:s7+$0x5CC0]  }
0x6c: {  	v55 =	vld [tilespmem:s1+$0x7040];
	v2 =	vadd.f32 v11, v2;
	v3 =	vadd.f32 v50, v3  }
0x6d: {  	v56 =	vld [tilespmem:s7+$0x5F30]  }
0x6e: {  	v57 =	vld [tilespmem:s1+$0x72B0];
	v2 =	vadd.f32 v51, v2;
	v3 =	vadd.f32 v52, v3  }
0x6f: {  	v58 =	vld [tilespmem:s7+$0x61A0]  }
0x70: {  	v2 =	vadd.f32 v53, v2;
	v3 =	vadd.f32 v54, v3  }
0x71: {  	v59 =	vld [tilespmem:s7+$0x6410]  }
0x72: {  	v2 =	vadd.f32 v55, v2;
	v3 =	vadd.f32 v56, v3  }
0x73: {  	v60 =	vld [tilespmem:s7+$0x6680]  }
0x74: {  	v2 =	vadd.f32 v57, v2;
	v3 =	vadd.f32 v58, v3  }
0x75: {  	v61 =	vld [tilespmem:s7+$0x68F0]  }
0x76: {  	[tilespmem:s1+$0x7520] =	vst v2;
	v2 =	vadd.f32 v59, v3  }
0x77: {  	v3 =	vld [tilespmem:s7+$0x6B60]  }
0x78: {  	v2 =	vadd.f32 v60, v2  }
0x79: {  	v62 =	vld [tilespmem:s7+$0x6DD0]  }
0x7a: {  	v2 =	vadd.f32 v61, v2  }
0x7b: {  	v63 =	vld [tilespmem:s7+$0x7040]  }
0x7c: {  	v2 =	vadd.f32 v3, v2  }
0x7d: {  	v3 =	vld [tilespmem:s7+$0x72B0]  }
0x7e: {  	v2 =	vadd.f32 v62, v2;
	_ =	sdelay $0x1  }
0x7f: {  	v2 =	vadd.f32 v63, v2;
	_ =	sdelay $0x1  }
0x80: {  	v2 =	vadd.f32 v3, v2;
	_ =	sdelay $0x1  }
.Ltmp5:
0x81: {  	[tilespmem:s7+$0x7520] =	vst v2;
	(pc) =	sbr.rel @p0 .LBB2_9-.Ltmp5, $4  }
0x82: {  	[hbm4b:s6+s2] =	stream.linear.scatter [tilespmem:s30], [sflag:$0x1], $0x270, $0x38;
	[tilespmem:$0x9EA0] =	vst v63  }
0x83: {  	_ =	swait.ge [sflag:s25], $0x270  }
0x84: {  	[sflag:s25] =	ssyncset.done $0x0  }
0x85: {  	[sflag:s25] =	ssyncadd.s32 $0xFFFFFD90  }
0x86: {  	s0 =	rddreg [dreg:$0x4]  }
0x87: {  	[tilespmem:s29], [sflag:$0x1] =	stream.linear.gather [spmem:s0], $0x10, $0x38;
	[tilespmem:$0x9EA0] =	vst v63  }
0x88: {  	s8 =	simm.s32 $0x5090  }
0x89: {  	[tilespmem:s8], [sflag:$0x1] =	stream.linear.gather [spmem:s10], $0x10, $0x38;
	[tilespmem:$0x9EA0] =	vst v63  }
0x8a: {  	s1 =	simm.s32 $0x5300  }
0x8b: {  	[tilespmem:s1], [sflag:$0x1] =	stream.linear.gather [spmem:s11], $0x10, $0x38;
	[tilespmem:$0x9EA0] =	vst v63  }
0x8c: {  	s7 =	simm.s32 $0x5570  }
0x8d: {  	[tilespmem:s7], [sflag:$0x1] =	stream.linear.gather [spmem:s12], $0x10, $0x38;
	[tilespmem:$0x9EA0] =	vst v63  }
0x8e: {  	s8 =	simm.s32 $0x57E0  }
0x8f: {  	[tilespmem:s8], [sflag:$0x1] =	stream.linear.gather [spmem:s13], $0x10, $0x38;
	[tilespmem:$0x9EA0] =	vst v63  }
0x90: {  	s1 =	simm.s32 $0x5A50  }
0x91: {  	[tilespmem:s1], [sflag:$0x1] =	stream.linear.gather [spmem:s14], $0x10, $0x38;
	[tilespmem:$0x9EA0] =	vst v63  }
0x92: {  	s7 =	simm.s32 $0x5CC0  }
0x93: {  	[tilespmem:s7], [sflag:$0x1] =	stream.linear.gather [spmem:s15], $0x10, $0x38;
	[tilespmem:$0x9EA0] =	vst v63  }
0x94: {  	s8 =	simm.s32 $0x5F30  }
0x95: {  	[tilespmem:s8], [sflag:$0x1] =	stream.linear.gather [spmem:s16], $0x10, $0x38;
	[tilespmem:$0x9EA0] =	vst v63  }
0x96: {  	s1 =	simm.s32 $0x61A0  }
0x97: {  	[tilespmem:s1], [sflag:$0x1] =	stream.linear.gather [spmem:s17], $0x10, $0x38;
	[tilespmem:$0x9EA0] =	vst v63  }
0x98: {  	s7 =	simm.s32 $0x6410  }
0x99: {  	[tilespmem:s7], [sflag:$0x1] =	stream.linear.gather [spmem:s18], $0x10, $0x38;
	[tilespmem:$0x9EA0] =	vst v63  }
0x9a: {  	s8 =	simm.s32 $0x6680  }
0x9b: {  	[tilespmem:s8], [sflag:$0x1] =	stream.linear.gather [spmem:s19], $0x10, $0x38;
	[tilespmem:$0x9EA0] =	vst v63  }
0x9c: {  	s1 =	simm.s32 $0x68F0  }
0x9d: {  	[tilespmem:s1], [sflag:$0x1] =	stream.linear.gather [spmem:s20], $0x10, $0x38;
	[tilespmem:$0x9EA0] =	vst v63  }
0x9e: {  	s7 =	simm.s32 $0x6B60  }
0x9f: {  	[tilespmem:s7], [sflag:$0x1] =	stream.linear.gather [spmem:s21], $0x10, $0x38;
	[tilespmem:$0x9EA0] =	vst v63  }
0xa0: {  	s8 =	simm.s32 $0x6DD0  }
0xa1: {  	[tilespmem:s8], [sflag:$0x1] =	stream.linear.gather [spmem:s22], $0x10, $0x38;
	[tilespmem:$0x9EA0] =	vst v63  }
0xa2: {  	s1 =	simm.s32 $0x7040  }
0xa3: {  	[tilespmem:s1], [sflag:$0x1] =	stream.linear.gather [spmem:s23], $0x10, $0x38;
	[tilespmem:$0x9EA0] =	vst v63  }
0xa4: {  	s7 =	simm.s32 $0x72B0  }
0xa5: {  	[tilespmem:s7], [sflag:$0x1] =	stream.linear.gather [spmem:s24], $0x10, $0x38;
	[tilespmem:$0x9EA0] =	vst v63  }
0xa6: {  	_ =	swait.ge [sflag:s25], $0x100  }
0xa7: {  	[sflag:s25] =	ssyncset.done $0x0  }
0xa8: {  	[sflag:s25] =	ssyncadd.s32 $0xFFFFFF00  }
0xa9: {  	v2 =	vld [tilespmem:$0x4E20]  }
0xaa: {  	v3 =	vld [tilespmem:$0x5090];
	_ =	sdelay $0x1  }
0xab: {  	v4 =	vld [tilespmem:$0x5300];
	_ =	sdelay $0x1  }
0xac: {  	v5 =	vld [tilespmem:$0x5570]  }
0xad: {  	v2 =	vadd.f32 v3, v2  }
0xae: {  	v3 =	vld [tilespmem:$0x57E0]  }
0xaf: {  	v2 =	vadd.f32 v4, v2  }
0xb0: {  	v56 =	vld [tilespmem:$0x5A50]  }
0xb1: {  	v2 =	vadd.f32 v5, v2  }
0xb2: {  	v57 =	vld [tilespmem:$0x5CC0]  }
0xb3: {  	v2 =	vadd.f32 v3, v2  }
0xb4: {  	v3 =	vld [tilespmem:$0x5F30]  }
0xb5: {  	v2 =	vadd.f32 v56, v2  }
0xb6: {  	v58 =	vld [tilespmem:$0x61A0]  }
0xb7: {  	v2 =	vadd.f32 v57, v2  }
0xb8: {  	v59 =	vld [tilespmem:$0x6410]  }
0xb9: {  	v2 =	vadd.f32 v3, v2  }
0xba: {  	v3 =	vld [tilespmem:$0x6680]  }
0xbb: {  	v2 =	vadd.f32 v58, v2  }
0xbc: {  	v60 =	vld [tilespmem:$0x68F0]  }
0xbd: {  	v2 =	vadd.f32 v59, v2  }
0xbe: {  	v61 =	vld [tilespmem:$0x6B60]  }
0xbf: {  	v2 =	vadd.f32 v3, v2  }
0xc0: {  	v3 =	vld [tilespmem:$0x6DD0]  }
0xc1: {  	v2 =	vadd.f32 v60, v2  }
0xc2: {  	v62 =	vld [tilespmem:$0x7040]  }
0xc3: {  	v2 =	vadd.f32 v61, v2  }
0xc4: {  	v63 =	vld [tilespmem:$0x72B0]  }
0xc5: {  	v2 =	vadd.f32 v3, v2;
	_ =	sdelay $0x1  }
0xc6: {  	v2 =	vadd.f32 v62, v2;
	_ =	sdelay $0x1  }
0xc7: {  	v2 =	vadd.f32 v63, v2;
	_ =	sdelay $0x1  }
.Ltmp6:
0xc8: {  	s8 =	rddreg [dreg:$0x5];
	[tilespmem:$0x7520] =	vst v2;
	(pc) =	sbr.rel .LBB2_9-.Ltmp6, $4  }
0xc9: {  	[hbm4b:s8+s2] =	stream.linear.scatter [tilespmem:s30], [sflag:$0x1], $0x10, $0x38;
	[tilespmem:$0x9EA0] =	vst v63  }
0xca: {  	_ =	swait.ge [sflag:s25], $0x10  }
0xcb: {  	[sflag:s25] =	ssyncset.done $0x0  }
0xcc: {  	[sflag:s25] =	ssyncadd.s32 $0xFFFFFFF0  }
.LBB2_10:
0xcd: {  	_ =	sfence.sel $0x180000  }
0xce: {  	[bflag:$0x0] =	sbarrier.arrive $0xFFFF  }
0xcf: {  	_ =	strace $0x90000047  }
0xd0: {  	s0 =	stileid.u32;
	[bflag:$0x2] =	sbarrier.arrive $0xFFFF  }
0xd1: {  	p0 =	sne.s32 s0, $0x0;
	s0 =	rddreg [dreg:$0x3]  }
0xd2: {  	s0 =	sadd.s32 @!p0 $0x100000, s0  }
0xd3: {  	[sflag:s0] =	ssyncadd.tile.s32 @!p0 $0x1;
	_ =	shalt  }
.Lfunc_end2:
_tile_overlayer_lowered:
.L_overlay_start_2:
0xd4: {  	(tag) =	ssettag $0x2  }
0xd5: {  	s0 =	rddreg [dreg:$0x0];
	s2 =	stileid.u32  }
0xd6: {  	s1 =	rddreg [dreg:$0x1];
	p0 =	sne.s32 s2, $0x0  }
0xd7: {  	s3 =	rddreg [dreg:$0x2];
	[bflag:$0x3] =	sbarrier.arrive $0xFFFF;
	s2 =	simm.s32 @!p0 $0x1C01  }
0xd8: {  	[timem:s3], [sflag:s2] =	dma.local @!p0 [hbm:s0], s1  }
0xd9: {  	s0 =	simm.s32 @!p0 $0x1  }
0xda: {  	_ =	swait.ge @!p0 [sflag:s0], s1  }
0xdb: {  	s1 =	ssub.s32 @!p0 $0x0, s1;
	[sflag:s0] =	ssyncset.done @!p0 $0x0  }
0xdc: {  	[sflag:s0] =	ssyncadd.s32 @!p0 s1  }
0xdd: {  	[bflag:$0x3] =	sbarrier.arrive $0xFFFF  }
0xde: {  	_ =	shalt  }

</sc_bundles>
